<compile_context>
chip_gen: v7x
topology: tpu7x:2x2x1
jax: 0.10.2.dev20260603
libtpu: 0.0.44.dev20260713+nightly
codegen_flags: <defaults>
</compile_context>

<pallas_src>
import functools

import jax
import jax.numpy as jnp
from jax import lax
from jax.experimental import pallas as pl
from jax.experimental.pallas import tpu as pltpu
from jax.experimental.pallas import tpu_sc as plsc

NC, NS = 2, 16
NW = NC * NS
GC = 40
SB = 80
NORM = 100.0


def _rne_bf16_bits(x):
    r = lax.bitcast_convert_type(x, jnp.int32)
    lsb = jnp.bitwise_and(lax.shift_right_logical(r, 16), jnp.int32(1))
    return r + jnp.int32(0x7FFF) + lsb


def _pack_halves(a):
    hw = a.shape[1] // 2
    lo = lax.shift_right_logical(_rne_bf16_bits(a[:, :hw]), 16)
    hi = jnp.bitwise_and(_rne_bf16_bits(a[:, hw:]), jnp.int32(-65536))
    return jnp.bitwise_or(hi, lo)


def _pre_body(h_ref, w1a_ref, w1b_ref, ta_ref, tb_ref):
    h = h_ref[...]
    ta_ref[...] = _pack_halves(
        jnp.dot(h, w1a_ref[...], preferred_element_type=jnp.float32))
    tb_ref[...] = _pack_halves(
        jnp.dot(h, w1b_ref[...], preferred_element_type=jnp.float32))


def _precompute(h, w1a, w1b):
    n, hid = h.shape
    bn = 2000
    tbl = jax.ShapeDtypeStruct((n, hid // 2), jnp.int32)
    return pl.pallas_call(
        _pre_body,
        grid=(n // bn,),
        in_specs=[
            pl.BlockSpec((bn, hid), lambda i: (i, 0)),
            pl.BlockSpec((hid, hid), lambda i: (0, 0)),
            pl.BlockSpec((hid, hid), lambda i: (0, 0)),
        ],
        out_specs=[
            pl.BlockSpec((bn, hid // 2), lambda i: (i, 0)),
            pl.BlockSpec((bn, hid // 2), lambda i: (i, 0)),
        ],
        out_shape=[tbl, tbl],
    )(h, w1a, w1b)


def _gather(tbl_a, tbl_b, rowi, coli):
    n64 = tbl_a.shape[1]
    e = rowi.shape[0]
    ew = e // NW
    nch = ew // GC
    npair = nch // 2
    mesh = plsc.VectorSubcoreMesh(
        core_axis_name="c", subcore_axis_name="s", num_cores=NC, num_subcores=NS)
    buf = pltpu.VMEM((GC, n64), jnp.int32)

    @functools.partial(
        pl.kernel, mesh=mesh,
        out_type=jax.ShapeDtypeStruct((e, 2 * n64), jnp.int32),
        scratch_types=[
            pltpu.VMEM((ew,), jnp.int32),
            pltpu.VMEM((ew,), jnp.int32),
            buf, buf, buf, buf,
        ] + [pltpu.SemaphoreType.DMA] * 8,
        compiler_params=pltpu.CompilerParams(use_tc_tiling_on_sc=False),
    )
    def k(ta, tb, ri_hbm, ci_hbm, out_hbm, ridx, cidx, ra_a, ra_b, rb_a, rb_b,
          sga_a, sga_b, sgb_a, sgb_b, soa_a, soa_b, sob_a, sob_b):
        wid = lax.axis_index("s") * NC + lax.axis_index("c")
        base = wid * ew
        pltpu.sync_copy(ri_hbm.at[pl.ds(base, ew)], ridx)
        pltpu.sync_copy(ci_hbm.at[pl.ds(base, ew)], cidx)

        def dst_a(j):
            return out_hbm.at[pl.ds(base + j * GC, GC), pl.ds(0, n64)]

        def dst_b(j):
            return out_hbm.at[pl.ds(base + j * GC, GC), pl.ds(n64, n64)]

        def fire_gathers(j, buf_a, buf_b, sa, sb):
            sl = pl.ds(j * GC, GC)
            return (pltpu.async_copy(ta.at[ridx.at[sl]], buf_a, sa),
                    pltpu.async_copy(tb.at[cidx.at[sl]], buf_b, sb))

        def drain_writes(buf_a, buf_b, sa, sb):
            pltpu.make_async_copy(buf_a, dst_a(0), sa).wait()
            pltpu.make_async_copy(buf_b, dst_b(0), sb).wait()

        def pair(k_, carry):
            ja = 2 * k_
            jb = 2 * k_ + 1

            @pl.when(k_ > 0)
            def _():
                drain_writes(ra_a, ra_b, soa_a, soa_b)
                drain_writes(rb_a, rb_b, sob_a, sob_b)

            ga = fire_gathers(ja, ra_a, ra_b, sga_a, sga_b)
            gb = fire_gathers(jb, rb_a, rb_b, sgb_a, sgb_b)
            ga[0].wait()
            ga[1].wait()
            pltpu.async_copy(ra_a, dst_a(ja), soa_a)
            pltpu.async_copy(ra_b, dst_b(ja), soa_b)
            gb[0].wait()
            gb[1].wait()
            pltpu.async_copy(rb_a, dst_a(jb), sob_a)
            pltpu.async_copy(rb_b, dst_b(jb), sob_b)
            return carry

        lax.fori_loop(0, npair, pair, 0)

        if nch % 2:
            jt = nch - 1
            drain_writes(ra_a, ra_b, soa_a, soa_b)
            ga = fire_gathers(jt, ra_a, ra_b, sga_a, sga_b)
            ga[0].wait()
            ga[1].wait()
            pltpu.async_copy(ra_a, dst_a(jt), soa_a)
            pltpu.async_copy(ra_b, dst_b(jt), soa_b)
        drain_writes(rb_a, rb_b, sob_a, sob_b)
        drain_writes(ra_a, ra_b, soa_a, soa_b)

    return k(tbl_a, tbl_b, rowi, coli)


def _unpack_bf16_pairs(gi):
    lo = lax.bitcast_convert_type(lax.shift_left(gi, 16), jnp.float32)
    hi = lax.bitcast_convert_type(jnp.bitwise_and(gi, jnp.int32(-65536)),
                                  jnp.float32)
    return jnp.concatenate([lo, hi], axis=1)


def _mlp_body(g_ref, ea_ref, cd_ref, w1c_ref, b1_ref, w2_ref, b2_ref, w3_ref,
              t0_ref, t1_ref, t2_ref):
    n64 = g_ref.shape[1] // 2
    g = (_unpack_bf16_pairs(g_ref[:, :n64]) + _unpack_bf16_pairs(g_ref[:, n64:])
         + b1_ref[...]
         + jnp.dot(ea_ref[...], w1c_ref[...], preferred_element_type=jnp.float32))
    x1 = g * jax.nn.sigmoid(g)
    x2 = jnp.dot(x1.astype(jnp.bfloat16), w2_ref[...],
                 preferred_element_type=jnp.float32) + b2_ref[...]
    x2 = x2 * jax.nn.sigmoid(x2)
    out_t = lax.dot_general(w3_ref[...], x2, (((1,), (1,)), ((), ())),
                            preferred_element_type=jnp.float32)
    cd = cd_ref[...]
    t0_ref[...] = cd[0:1, :] * out_t
    t1_ref[...] = cd[1:2, :] * out_t
    t2_ref[...] = cd[2:3, :] * out_t


def _mlp(g2, ea, cdt, w1c, b1, w2, b2, w3row):
    e, hid = g2.shape
    be = 1280
    ed = ea.shape[1]
    row_sds = jax.ShapeDtypeStruct((1, e), jnp.float32)
    return pl.pallas_call(
        _mlp_body,
        grid=(e // be,),
        in_specs=[
            pl.BlockSpec((be, hid), lambda i: (i, 0)),
            pl.BlockSpec((be, ed), lambda i: (i, 0)),
            pl.BlockSpec((3, be), lambda i: (0, i)),
            pl.BlockSpec((ed, hid), lambda i: (0, 0)),
            pl.BlockSpec((1, hid), lambda i: (0, 0)),
            pl.BlockSpec((hid, hid), lambda i: (0, 0)),
            pl.BlockSpec((1, hid), lambda i: (0, 0)),
            pl.BlockSpec((1, hid), lambda i: (0, 0)),
        ],
        out_specs=[
            pl.BlockSpec((1, be), lambda i: (0, i)),
            pl.BlockSpec((1, be), lambda i: (0, i)),
            pl.BlockSpec((1, be), lambda i: (0, i)),
        ],
        out_shape=[row_sds, row_sds, row_sds],
    )(g2, ea, cdt, w1c, b1, w2, b2, w3row)


def _scatter(trh1, trh2, row_r, zeros_n, n):
    e = 2 * trh1[0].shape[0]
    ew = e // NW
    hw_workers = NW // 2
    nch = ew // SB
    rpt = 1000
    ntc = n // rpt
    mesh = plsc.VectorSubcoreMesh(
        core_axis_name="c", subcore_axis_name="s", num_cores=NC, num_subcores=NS)
    part = jax.ShapeDtypeStruct((n,), jnp.float32)

    @functools.partial(
        pl.kernel, mesh=mesh,
        out_type=[part] * 6,
        scratch_types=[
            pltpu.VMEM((ew // SB, SB), jnp.int32),
            pltpu.VMEM((ew,), jnp.float32),
            pltpu.VMEM((ew,), jnp.float32),
            pltpu.VMEM((ew,), jnp.float32),
            pltpu.VMEM_SHARED((n,), jnp.float32),
            pltpu.VMEM_SHARED((n,), jnp.float32),
            pltpu.VMEM_SHARED((n,), jnp.float32),
        ],
        compiler_params=pltpu.CompilerParams(use_tc_tiling_on_sc=False),
    )
    def k(h10_hbm, h11_hbm, h12_hbm, h20_hbm, h21_hbm, h22_hbm,
          rowr_hbm, z_hbm,
          o00, o01, o02, o10, o11, o12,
          idx_v, t0_v, t1_v, t2_v, a0, a1, a2):
        cid = lax.axis_index("c")
        sid = lax.axis_index("s")
        wid = sid * NC + cid

        @pl.when(sid == 0)
        def _():
            pltpu.sync_copy(z_hbm, a0)
            pltpu.sync_copy(z_hbm, a1)
            pltpu.sync_copy(z_hbm, a2)

        plsc.subcore_barrier()

        pltpu.sync_copy(rowr_hbm.at[wid], idx_v)

        @pl.when(wid < hw_workers)
        def _():
            sl_in = pl.ds(wid * ew, ew)
            pltpu.sync_copy(h10_hbm.at[sl_in], t0_v)
            pltpu.sync_copy(h11_hbm.at[sl_in], t1_v)
            pltpu.sync_copy(h12_hbm.at[sl_in], t2_v)

        @pl.when(wid >= hw_workers)
        def _():
            sl_in = pl.ds((wid - hw_workers) * ew, ew)
            pltpu.sync_copy(h20_hbm.at[sl_in], t0_v)
            pltpu.sync_copy(h21_hbm.at[sl_in], t1_v)
            pltpu.sync_copy(h22_hbm.at[sl_in], t2_v)

        def chunk(j, carry):
            sl = pl.ds(j * SB, SB)
            pltpu.sync_copy(t0_v.at[sl], a0.at[idx_v.at[j]], add=True)
            pltpu.sync_copy(t1_v.at[sl], a1.at[idx_v.at[j]], add=True)
            pltpu.sync_copy(t2_v.at[sl], a2.at[idx_v.at[j]], add=True)
            return carry

        lax.fori_loop(0, nch, chunk, 0)

        plsc.subcore_barrier()

        @pl.when(sid < ntc)
        def _():
            sl = pl.ds(sid * rpt, rpt)

            @pl.when(cid == 0)
            def _():
                pltpu.sync_copy(a0.at[sl], o00.at[sl])
                pltpu.sync_copy(a1.at[sl], o01.at[sl])
                pltpu.sync_copy(a2.at[sl], o02.at[sl])

            @pl.when(cid == 1)
            def _():
                pltpu.sync_copy(a0.at[sl], o10.at[sl])
                pltpu.sync_copy(a1.at[sl], o11.at[sl])
                pltpu.sync_copy(a2.at[sl], o12.at[sl])

    return k(*trh1, *trh2, row_r, zeros_n)


def kernel(h, coord, edge_index, coord_diff, edge_attr, W1, b1, W2, b2, W3):
    n, hid = h.shape
    e = edge_index.shape[1]
    row = edge_index[0]
    col = edge_index[1]

    apk, bpk = _precompute(h, W1[:hid], W1[hid:2 * hid])

    e2 = e // 2
    cdt = jnp.transpose(coord_diff)
    w2bf = W2.astype(jnp.bfloat16)
    halves = []
    for lo in (0, e2):
        gh = _gather(apk, bpk, lax.slice(row, (lo,), (lo + e2,)),
                     lax.slice(col, (lo,), (lo + e2,)))
        trh = _mlp(gh, lax.slice(edge_attr, (lo, 0), (lo + e2, edge_attr.shape[1])),
                   lax.slice(cdt, (0, lo), (3, lo + e2)),
                   W1[2 * hid:], b1.reshape(1, hid), w2bf,
                   b2.reshape(1, hid), W3.reshape(1, hid))
        halves.append([t.reshape(e2) for t in trh])

    row_r = row.reshape(NW, e // NW // SB, SB)
    zeros_n = jnp.zeros((n,), jnp.float32)
    parts = _scatter(halves[0], halves[1], row_r, zeros_n, n)

    agg = jnp.stack([parts[0] + parts[3],
                     parts[1] + parts[4],
                     parts[2] + parts[5]], axis=1) / NORM
    return coord + agg

# --- scband reference (transcript-rebuilt; emitter-appended) ---
"""Pipeline reference for scband-equivariant-update-72060961292772 (READ-ONLY COPY).

The authoritative reference and input builder live on the scoring server;
editing this copy changes nothing except your own understanding.
"""

import jax, jax.numpy as jnp
import numpy as np

N = 10000
E = 320000
HID = 128
EDGE_D = 4
NORM = 100.0


def setup_inputs(seed: int = 0) -> dict:
    key = jax.random.key(seed)
    ks = jax.random.split(key, 10)
    h = jax.random.normal(ks[0], (N, HID), dtype=jnp.float32)
    coord = jax.random.normal(ks[1], (N, 3), dtype=jnp.float32)
    edge_index = jax.random.randint(ks[2], (2, E), 0, N, dtype=jnp.int32)
    coord_diff = jax.random.normal(ks[3], (E, 3), dtype=jnp.float32)
    edge_attr = jax.random.normal(ks[4], (E, EDGE_D), dtype=jnp.float32)
    in_dim = 2 * HID + EDGE_D
    # glorot-normal-ish init for the two hidden layers, tiny variance-scaled final layer
    W1 = jax.random.normal(ks[5], (in_dim, HID), dtype=jnp.float32) * np.sqrt(2.0 / (in_dim + HID))
    b1 = jnp.zeros((HID,), dtype=jnp.float32)
    W2 = jax.random.normal(ks[6], (HID, HID), dtype=jnp.float32) * np.sqrt(2.0 / (HID + HID))
    b2 = jnp.zeros((HID,), dtype=jnp.float32)
    W3 = jax.random.normal(ks[7], (HID, 1), dtype=jnp.float32) * np.sqrt(0.001 * 2.0 / (HID + 1))
    return {"h": h, "coord": coord, "edge_index": edge_index, "coord_diff": coord_diff,
            "edge_attr": edge_attr, "W1": W1, "b1": b1, "W2": W2, "b2": b2, "W3": W3}


def reference(h, coord, edge_index, coord_diff, edge_attr, W1, b1, W2, b2, W3):
    row = edge_index[0]
    col = edge_index[1]
    # coord_mlp on concatenated edge features (gather h[row], h[col])
    inp = jnp.concatenate([h[row], h[col], edge_attr], axis=1)
    x = jax.nn.silu(inp @ W1 + b1)
    x = jax.nn.silu(x @ W2 + b2)
    out = x @ W3  # [E, 1], no bias
    # tanh=False branch
    trans = coord_diff * out
    # unsorted_segment_sum with 'sum' aggregation: segment_sum then / normalization_factor
    agg = jax.ops.segment_sum(trans, row, num_segments=coord.shape[0]) / NORM
    coord = coord + agg
    return coord

if __name__ == "__main__":
    import jax
    _d = setup_inputs()
    print(jax.jit(kernel)(*tuple(_d.values())))

</pallas_src>

<mosaic_0001>
#map = affine_map<(d0, d1) -> (0)>
#map1 = affine_map<(d0, d1) -> (0, 0, 0)>
module attributes {stable_mosaic.version = 14 : i64} {
  func.func @k(%arg0: i32, %arg1: i32, %arg2: memref<160000xf32, #tpu.memory_space<hbm>>, %arg3: memref<160000xf32, #tpu.memory_space<hbm>>, %arg4: memref<160000xf32, #tpu.memory_space<hbm>>, %arg5: memref<160000xf32, #tpu.memory_space<hbm>>, %arg6: memref<160000xf32, #tpu.memory_space<hbm>>, %arg7: memref<160000xf32, #tpu.memory_space<hbm>>, %arg8: memref<32x125x80xi32, #tpu.memory_space<hbm>>, %arg9: memref<10000xf32, #tpu.memory_space<hbm>>, %arg10: memref<10000xf32, #tpu.memory_space<hbm>>, %arg11: memref<10000xf32, #tpu.memory_space<hbm>>, %arg12: memref<10000xf32, #tpu.memory_space<hbm>>, %arg13: memref<10000xf32, #tpu.memory_space<hbm>>, %arg14: memref<10000xf32, #tpu.memory_space<hbm>>, %arg15: memref<10000xf32, #tpu.memory_space<hbm>>, %arg16: memref<125x80xi32, #tpu.memory_space<vmem>>, %arg17: memref<10000xf32, #tpu.memory_space<vmem>>, %arg18: memref<10000xf32, #tpu.memory_space<vmem>>, %arg19: memref<10000xf32, #tpu.memory_space<vmem>>, %arg20: memref<10000xf32, #tpu.memory_space<vmem_shared>>, %arg21: memref<10000xf32, #tpu.memory_space<vmem_shared>>, %arg22: memref<10000xf32, #tpu.memory_space<vmem_shared>>) attributes {dimension_semantics = [#tpu.dimension_semantics<core_parallel>, #tpu.dimension_semantics<subcore_parallel>], iteration_bounds = array<i64: 2, 16>, scalar_prefetch = 0 : i64, scratch_operands = 7 : i64, tpu.core_type = #tpu.core_type<sc_vector_subcore>, window_params = [{transform_indices = #map}, {transform_indices = #map}, {transform_indices = #map}, {transform_indices = #map}, {transform_indices = #map}, {transform_indices = #map}, {transform_indices = #map1}, {transform_indices = #map}, {transform_indices = #map}, {transform_indices = #map}, {transform_indices = #map}, {transform_indices = #map}, {transform_indices = #map}, {transform_indices = #map}]} {
    %mul3A = arith.constant 2 : i32
    %mul3A_0 = arith.muli %arg1, %mul3A : i32
    %add3A = arith.addi %mul3A_0, %arg0 : i32
    %eq3A = arith.constant 0 : i32
    %eq3A_1 = arith.cmpi eq, %arg1, %eq3A : i32
    %convert_element_type3A = arith.extui %eq3A_1 : i1 to i32
    %cond3A = arith.constant 0 : i32
    %cond3A_2 = arith.cmpi ne, %convert_element_type3A, %cond3A : i32
    scf.if %cond3A_2 {
      "tpu.region"() ({
        %run_scoped3A = tpu.sem_alloc : memref<!tpu.dma_semaphore, #tpu.memory_space<semaphore_mem>>
        tpu.enqueue_dma source(%arg9 : memref<10000xf32, #tpu.memory_space<hbm>>) target(%arg20 : memref<10000xf32, #tpu.memory_space<vmem_shared>>) target_semaphore(%run_scoped3A : memref<!tpu.dma_semaphore, #tpu.memory_space<semaphore_mem>>)
        tpu.wait_dma2 semaphore(%run_scoped3A : memref<!tpu.dma_semaphore, #tpu.memory_space<semaphore_mem>>) src(%arg9 : memref<10000xf32, #tpu.memory_space<hbm>>) dst(%arg20 : memref<10000xf32, #tpu.memory_space<vmem_shared>>)
        tpu.yield
      }) : () -> ()
      "tpu.region"() ({
        %run_scoped3A = tpu.sem_alloc : memref<!tpu.dma_semaphore, #tpu.memory_space<semaphore_mem>>
        tpu.enqueue_dma source(%arg9 : memref<10000xf32, #tpu.memory_space<hbm>>) target(%arg21 : memref<10000xf32, #tpu.memory_space<vmem_shared>>) target_semaphore(%run_scoped3A : memref<!tpu.dma_semaphore, #tpu.memory_space<semaphore_mem>>)
        tpu.wait_dma2 semaphore(%run_scoped3A : memref<!tpu.dma_semaphore, #tpu.memory_space<semaphore_mem>>) src(%arg9 : memref<10000xf32, #tpu.memory_space<hbm>>) dst(%arg21 : memref<10000xf32, #tpu.memory_space<vmem_shared>>)
        tpu.yield
      }) : () -> ()
      "tpu.region"() ({
        %run_scoped3A = tpu.sem_alloc : memref<!tpu.dma_semaphore, #tpu.memory_space<semaphore_mem>>
        tpu.enqueue_dma source(%arg9 : memref<10000xf32, #tpu.memory_space<hbm>>) target(%arg22 : memref<10000xf32, #tpu.memory_space<vmem_shared>>) target_semaphore(%run_scoped3A : memref<!tpu.dma_semaphore, #tpu.memory_space<semaphore_mem>>)
        tpu.wait_dma2 semaphore(%run_scoped3A : memref<!tpu.dma_semaphore, #tpu.memory_space<semaphore_mem>>) src(%arg9 : memref<10000xf32, #tpu.memory_space<hbm>>) dst(%arg22 : memref<10000xf32, #tpu.memory_space<vmem_shared>>)
        tpu.yield
      }) : () -> ()
    } else {
    }
    %barrier3A = arith.constant 0 : index
    tpu.barrier barrier_id(%barrier3A)
    "tpu.region"() ({
      %run_scoped3A = tpu.sem_alloc : memref<!tpu.dma_semaphore, #tpu.memory_space<semaphore_mem>>
      %dma_start3A = arith.constant 0 : i32
      %dma_start3A_22 = arith.constant 0 : i32
      %dma_start3A_23 = tpu.memref_slice %arg8[%add3A, %dma_start3A, %dma_start3A_22] : memref<32x125x80xi32, #tpu.memory_space<hbm>> -> memref<1x125x80xi32, #tpu.memory_space<hbm>>
      %dma_start3A_24 = tpu.memref_squeeze %dma_start3A_23 : memref<1x125x80xi32, #tpu.memory_space<hbm>> -> memref<125x80xi32, #tpu.memory_space<hbm>>
      %dma_start3A_25 = arith.constant 0 : i32
      %dma_start3A_26 = arith.constant 0 : i32
      %dma_start3A_27 = tpu.memref_slice %arg8[%add3A, %dma_start3A_25, %dma_start3A_26] : memref<32x125x80xi32, #tpu.memory_space<hbm>> -> memref<1x125x80xi32, #tpu.memory_space<hbm>>
      %dma_start3A_28 = tpu.memref_squeeze %dma_start3A_27 : memref<1x125x80xi32, #tpu.memory_space<hbm>> -> memref<125x80xi32, #tpu.memory_space<hbm>>
      tpu.enqueue_dma source(%dma_start3A_28 : memref<125x80xi32, #tpu.memory_space<hbm>>) target(%arg16 : memref<125x80xi32, #tpu.memory_space<vmem>>) target_semaphore(%run_scoped3A : memref<!tpu.dma_semaphore, #tpu.memory_space<semaphore_mem>>)
      %dma_wait3A = arith.constant 0 : i32
      %dma_wait3A_29 = arith.constant 0 : i32
      %dma_wait3A_30 = tpu.memref_slice %arg8[%add3A, %dma_wait3A, %dma_wait3A_29] : memref<32x125x80xi32, #tpu.memory_space<hbm>> -> memref<1x125x80xi32, #tpu.memory_space<hbm>>
      %dma_wait3A_31 = tpu.memref_squeeze %dma_wait3A_30 : memref<1x125x80xi32, #tpu.memory_space<hbm>> -> memref<125x80xi32, #tpu.memory_space<hbm>>
      %dma_wait3A_32 = arith.constant 0 : i32
      %dma_wait3A_33 = arith.constant 0 : i32
      %dma_wait3A_34 = tpu.memref_slice %arg8[%add3A, %dma_wait3A_32, %dma_wait3A_33] : memref<32x125x80xi32, #tpu.memory_space<hbm>> -> memref<1x125x80xi32, #tpu.memory_space<hbm>>
      %dma_wait3A_35 = tpu.memref_squeeze %dma_wait3A_34 : memref<1x125x80xi32, #tpu.memory_space<hbm>> -> memref<125x80xi32, #tpu.memory_space<hbm>>
      tpu.wait_dma2 semaphore(%run_scoped3A : memref<!tpu.dma_semaphore, #tpu.memory_space<semaphore_mem>>) src(%dma_wait3A_35 : memref<125x80xi32, #tpu.memory_space<hbm>>) dst(%arg16 : memref<125x80xi32, #tpu.memory_space<vmem>>)
      tpu.yield
    }) : () -> ()
    %lt3A = arith.constant 16 : i32
    %lt3A_3 = arith.cmpi slt, %add3A, %lt3A : i32
    %convert_element_type3A_4 = arith.extui %lt3A_3 : i1 to i32
    %cond3A_5 = arith.constant 0 : i32
    %cond3A_6 = arith.cmpi ne, %convert_element_type3A_4, %cond3A_5 : i32
    scf.if %cond3A_6 {
      %mul3A_22 = arith.constant 10000 : i32
      %mul3A_23 = arith.muli %add3A, %mul3A_22 : i32
      "tpu.region"() ({
        %run_scoped3A = tpu.sem_alloc : memref<!tpu.dma_semaphore, #tpu.memory_space<semaphore_mem>>
        %dma_start3A = tpu.memref_slice %arg2[%mul3A_23] : memref<160000xf32, #tpu.memory_space<hbm>> -> memref<10000xf32, #tpu.memory_space<hbm>>
        %dma_start3A_24 = tpu.memref_slice %arg2[%mul3A_23] : memref<160000xf32, #tpu.memory_space<hbm>> -> memref<10000xf32, #tpu.memory_space<hbm>>
        tpu.enqueue_dma source(%dma_start3A_24 : memref<10000xf32, #tpu.memory_space<hbm>>) target(%arg17 : memref<10000xf32, #tpu.memory_space<vmem>>) target_semaphore(%run_scoped3A : memref<!tpu.dma_semaphore, #tpu.memory_space<semaphore_mem>>)
        %dma_wait3A = tpu.memref_slice %arg2[%mul3A_23] : memref<160000xf32, #tpu.memory_space<hbm>> -> memref<10000xf32, #tpu.memory_space<hbm>>
        %dma_wait3A_25 = tpu.memref_slice %arg2[%mul3A_23] : memref<160000xf32, #tpu.memory_space<hbm>> -> memref<10000xf32, #tpu.memory_space<hbm>>
        tpu.wait_dma2 semaphore(%run_scoped3A : memref<!tpu.dma_semaphore, #tpu.memory_space<semaphore_mem>>) src(%dma_wait3A_25 : memref<10000xf32, #tpu.memory_space<hbm>>) dst(%arg17 : memref<10000xf32, #tpu.memory_space<vmem>>)
        tpu.yield
      }) : () -> ()
      "tpu.region"() ({
        %run_scoped3A = tpu.sem_alloc : memref<!tpu.dma_semaphore, #tpu.memory_space<semaphore_mem>>
        %dma_start3A = tpu.memref_slice %arg3[%mul3A_23] : memref<160000xf32, #tpu.memory_space<hbm>> -> memref<10000xf32, #tpu.memory_space<hbm>>
        %dma_start3A_24 = tpu.memref_slice %arg3[%mul3A_23] : memref<160000xf32, #tpu.memory_space<hbm>> -> memref<10000xf32, #tpu.memory_space<hbm>>
        tpu.enqueue_dma source(%dma_start3A_24 : memref<10000xf32, #tpu.memory_space<hbm>>) target(%arg18 : memref<10000xf32, #tpu.memory_space<vmem>>) target_semaphore(%run_scoped3A : memref<!tpu.dma_semaphore, #tpu.memory_space<semaphore_mem>>)
        %dma_wait3A = tpu.memref_slice %arg3[%mul3A_23] : memref<160000xf32, #tpu.memory_space<hbm>> -> memref<10000xf32, #tpu.memory_space<hbm>>
        %dma_wait3A_25 = tpu.memref_slice %arg3[%mul3A_23] : memref<160000xf32, #tpu.memory_space<hbm>> -> memref<10000xf32, #tpu.memory_space<hbm>>
        tpu.wait_dma2 semaphore(%run_scoped3A : memref<!tpu.dma_semaphore, #tpu.memory_space<semaphore_mem>>) src(%dma_wait3A_25 : memref<10000xf32, #tpu.memory_space<hbm>>) dst(%arg18 : memref<10000xf32, #tpu.memory_space<vmem>>)
        tpu.yield
      }) : () -> ()
      "tpu.region"() ({
        %run_scoped3A = tpu.sem_alloc : memref<!tpu.dma_semaphore, #tpu.memory_space<semaphore_mem>>
        %dma_start3A = tpu.memref_slice %arg4[%mul3A_23] : memref<160000xf32, #tpu.memory_space<hbm>> -> memref<10000xf32, #tpu.memory_space<hbm>>
        %dma_start3A_24 = tpu.memref_slice %arg4[%mul3A_23] : memref<160000xf32, #tpu.memory_space<hbm>> -> memref<10000xf32, #tpu.memory_space<hbm>>
        tpu.enqueue_dma source(%dma_start3A_24 : memref<10000xf32, #tpu.memory_space<hbm>>) target(%arg19 : memref<10000xf32, #tpu.memory_space<vmem>>) target_semaphore(%run_scoped3A : memref<!tpu.dma_semaphore, #tpu.memory_space<semaphore_mem>>)
        %dma_wait3A = tpu.memref_slice %arg4[%mul3A_23] : memref<160000xf32, #tpu.memory_space<hbm>> -> memref<10000xf32, #tpu.memory_space<hbm>>
        %dma_wait3A_25 = tpu.memref_slice %arg4[%mul3A_23] : memref<160000xf32, #tpu.memory_space<hbm>> -> memref<10000xf32, #tpu.memory_space<hbm>>
        tpu.wait_dma2 semaphore(%run_scoped3A : memref<!tpu.dma_semaphore, #tpu.memory_space<semaphore_mem>>) src(%dma_wait3A_25 : memref<10000xf32, #tpu.memory_space<hbm>>) dst(%arg19 : memref<10000xf32, #tpu.memory_space<vmem>>)
        tpu.yield
      }) : () -> ()
    } else {
    }
    %ge3A = arith.constant 16 : i32
    %ge3A_7 = arith.cmpi sge, %add3A, %ge3A : i32
    %convert_element_type3A_8 = arith.extui %ge3A_7 : i1 to i32
    %cond3A_9 = arith.constant 0 : i32
    %cond3A_10 = arith.cmpi ne, %convert_element_type3A_8, %cond3A_9 : i32
    scf.if %cond3A_10 {
      %sub3A = arith.constant 16 : i32
      %sub3A_22 = arith.subi %add3A, %sub3A : i32
      %mul3A_23 = arith.constant 10000 : i32
      %mul3A_24 = arith.muli %sub3A_22, %mul3A_23 : i32
      "tpu.region"() ({
        %run_scoped3A = tpu.sem_alloc : memref<!tpu.dma_semaphore, #tpu.memory_space<semaphore_mem>>
        %dma_start3A = tpu.memref_slice %arg5[%mul3A_24] : memref<160000xf32, #tpu.memory_space<hbm>> -> memref<10000xf32, #tpu.memory_space<hbm>>
        %dma_start3A_25 = tpu.memref_slice %arg5[%mul3A_24] : memref<160000xf32, #tpu.memory_space<hbm>> -> memref<10000xf32, #tpu.memory_space<hbm>>
        tpu.enqueue_dma source(%dma_start3A_25 : memref<10000xf32, #tpu.memory_space<hbm>>) target(%arg17 : memref<10000xf32, #tpu.memory_space<vmem>>) target_semaphore(%run_scoped3A : memref<!tpu.dma_semaphore, #tpu.memory_space<semaphore_mem>>)
        %dma_wait3A = tpu.memref_slice %arg5[%mul3A_24] : memref<160000xf32, #tpu.memory_space<hbm>> -> memref<10000xf32, #tpu.memory_space<hbm>>
        %dma_wait3A_26 = tpu.memref_slice %arg5[%mul3A_24] : memref<160000xf32, #tpu.memory_space<hbm>> -> memref<10000xf32, #tpu.memory_space<hbm>>
        tpu.wait_dma2 semaphore(%run_scoped3A : memref<!tpu.dma_semaphore, #tpu.memory_space<semaphore_mem>>) src(%dma_wait3A_26 : memref<10000xf32, #tpu.memory_space<hbm>>) dst(%arg17 : memref<10000xf32, #tpu.memory_space<vmem>>)
        tpu.yield
      }) : () -> ()
      "tpu.region"() ({
        %run_scoped3A = tpu.sem_alloc : memref<!tpu.dma_semaphore, #tpu.memory_space<semaphore_mem>>
        %dma_start3A = tpu.memref_slice %arg6[%mul3A_24] : memref<160000xf32, #tpu.memory_space<hbm>> -> memref<10000xf32, #tpu.memory_space<hbm>>
        %dma_start3A_25 = tpu.memref_slice %arg6[%mul3A_24] : memref<160000xf32, #tpu.memory_space<hbm>> -> memref<10000xf32, #tpu.memory_space<hbm>>
        tpu.enqueue_dma source(%dma_start3A_25 : memref<10000xf32, #tpu.memory_space<hbm>>) target(%arg18 : memref<10000xf32, #tpu.memory_space<vmem>>) target_semaphore(%run_scoped3A : memref<!tpu.dma_semaphore, #tpu.memory_space<semaphore_mem>>)
        %dma_wait3A = tpu.memref_slice %arg6[%mul3A_24] : memref<160000xf32, #tpu.memory_space<hbm>> -> memref<10000xf32, #tpu.memory_space<hbm>>
        %dma_wait3A_26 = tpu.memref_slice %arg6[%mul3A_24] : memref<160000xf32, #tpu.memory_space<hbm>> -> memref<10000xf32, #tpu.memory_space<hbm>>
        tpu.wait_dma2 semaphore(%run_scoped3A : memref<!tpu.dma_semaphore, #tpu.memory_space<semaphore_mem>>) src(%dma_wait3A_26 : memref<10000xf32, #tpu.memory_space<hbm>>) dst(%arg18 : memref<10000xf32, #tpu.memory_space<vmem>>)
        tpu.yield
      }) : () -> ()
      "tpu.region"() ({
        %run_scoped3A = tpu.sem_alloc : memref<!tpu.dma_semaphore, #tpu.memory_space<semaphore_mem>>
        %dma_start3A = tpu.memref_slice %arg7[%mul3A_24] : memref<160000xf32, #tpu.memory_space<hbm>> -> memref<10000xf32, #tpu.memory_space<hbm>>
        %dma_start3A_25 = tpu.memref_slice %arg7[%mul3A_24] : memref<160000xf32, #tpu.memory_space<hbm>> -> memref<10000xf32, #tpu.memory_space<hbm>>
        tpu.enqueue_dma source(%dma_start3A_25 : memref<10000xf32, #tpu.memory_space<hbm>>) target(%arg19 : memref<10000xf32, #tpu.memory_space<vmem>>) target_semaphore(%run_scoped3A : memref<!tpu.dma_semaphore, #tpu.memory_space<semaphore_mem>>)
        %dma_wait3A = tpu.memref_slice %arg7[%mul3A_24] : memref<160000xf32, #tpu.memory_space<hbm>> -> memref<10000xf32, #tpu.memory_space<hbm>>
        %dma_wait3A_26 = tpu.memref_slice %arg7[%mul3A_24] : memref<160000xf32, #tpu.memory_space<hbm>> -> memref<10000xf32, #tpu.memory_space<hbm>>
        tpu.wait_dma2 semaphore(%run_scoped3A : memref<!tpu.dma_semaphore, #tpu.memory_space<semaphore_mem>>) src(%dma_wait3A_26 : memref<10000xf32, #tpu.memory_space<hbm>>) dst(%arg19 : memref<10000xf32, #tpu.memory_space<vmem>>)
        tpu.yield
      }) : () -> ()
    } else {
    }
    %scan3A = arith.constant 0 : i32
    %scan3A_11 = arith.constant 0 : i32
    %scan3A_12 = arith.constant 125 : i32
    %scan3A_13 = arith.addi %scan3A_11, %scan3A_12 : i32
    %scan3A_14 = arith.constant 1 : i32
    scf.for %scan3A_22 = %scan3A_11 to %scan3A_13 step %scan3A_14  : i32 {
      %mul3A_23 = arith.constant 80 : i32
      %mul3A_24 = arith.muli %scan3A_22, %mul3A_23 : i32
      "tpu.region"() ({
        %run_scoped3A = tpu.sem_alloc : memref<!tpu.dma_semaphore, #tpu.memory_space<semaphore_mem>>
        %dma_start3A = tpu.memref_slice %arg17[%mul3A_24] : memref<10000xf32, #tpu.memory_space<vmem>> -> memref<80xf32, #tpu.memory_space<vmem>>
        %dma_start3A_25 = arith.constant 0 : i32
        %dma_start3A_26 = tpu.memref_slice %arg16[%scan3A_22, %dma_start3A_25] : memref<125x80xi32, #tpu.memory_space<vmem>> -> memref<1x80xi32, #tpu.memory_space<vmem>>
        %dma_start3A_27 = tpu.memref_squeeze %dma_start3A_26 : memref<1x80xi32, #tpu.memory_space<vmem>> -> memref<80xi32, #tpu.memory_space<vmem>>
        %dma_start3A_28 = arith.constant 0 : i32
        %dma_start3A_29 = tpu.memref_slice %arg20[%dma_start3A_28] : memref<10000xf32, #tpu.memory_space<vmem_shared>> -> memref<10000xf32, #tpu.memory_space<vmem_shared>>
        tpu.enqueue_indirect_dma source(%dma_start3A : memref<80xf32, #tpu.memory_space<vmem>>) target(%dma_start3A_29 : memref<10000xf32, #tpu.memory_space<vmem_shared>>) offsets(%dma_start3A_27 : memref<80xi32, #tpu.memory_space<vmem>>) semaphore(%run_scoped3A : memref<!tpu.dma_semaphore, #tpu.memory_space<semaphore_mem>>) {add = true}
        %dma_wait3A = tpu.memref_slice %arg17[%mul3A_24] : memref<10000xf32, #tpu.memory_space<vmem>> -> memref<80xf32, #tpu.memory_space<vmem>>
        %dma_wait3A_30 = arith.constant 0 : i32
        %dma_wait3A_31 = tpu.memref_slice %arg16[%scan3A_22, %dma_wait3A_30] : memref<125x80xi32, #tpu.memory_space<vmem>> -> memref<1x80xi32, #tpu.memory_space<vmem>>
        %dma_wait3A_32 = tpu.memref_squeeze %dma_wait3A_31 : memref<1x80xi32, #tpu.memory_space<vmem>> -> memref<80xi32, #tpu.memory_space<vmem>>
        %dma_wait3A_33 = arith.constant 0 : i32
        %dma_wait3A_34 = tpu.memref_slice %arg20[%dma_wait3A_33] : memref<10000xf32, #tpu.memory_space<vmem_shared>> -> memref<10000xf32, #tpu.memory_space<vmem_shared>>
        tpu.wait_indirect_dma semaphore(%run_scoped3A : memref<!tpu.dma_semaphore, #tpu.memory_space<semaphore_mem>>) src(%dma_wait3A : memref<80xf32, #tpu.memory_space<vmem>>) dst(%dma_wait3A_34 : memref<10000xf32, #tpu.memory_space<vmem_shared>>)
        tpu.yield
      }) : () -> ()
      "tpu.region"() ({
        %run_scoped3A = tpu.sem_alloc : memref<!tpu.dma_semaphore, #tpu.memory_space<semaphore_mem>>
        %dma_start3A = tpu.memref_slice %arg18[%mul3A_24] : memref<10000xf32, #tpu.memory_space<vmem>> -> memref<80xf32, #tpu.memory_space<vmem>>
        %dma_start3A_25 = arith.constant 0 : i32
        %dma_start3A_26 = tpu.memref_slice %arg16[%scan3A_22, %dma_start3A_25] : memref<125x80xi32, #tpu.memory_space<vmem>> -> memref<1x80xi32, #tpu.memory_space<vmem>>
        %dma_start3A_27 = tpu.memref_squeeze %dma_start3A_26 : memref<1x80xi32, #tpu.memory_space<vmem>> -> memref<80xi32, #tpu.memory_space<vmem>>
        %dma_start3A_28 = arith.constant 0 : i32
        %dma_start3A_29 = tpu.memref_slice %arg21[%dma_start3A_28] : memref<10000xf32, #tpu.memory_space<vmem_shared>> -> memref<10000xf32, #tpu.memory_space<vmem_shared>>
        tpu.enqueue_indirect_dma source(%dma_start3A : memref<80xf32, #tpu.memory_space<vmem>>) target(%dma_start3A_29 : memref<10000xf32, #tpu.memory_space<vmem_shared>>) offsets(%dma_start3A_27 : memref<80xi32, #tpu.memory_space<vmem>>) semaphore(%run_scoped3A : memref<!tpu.dma_semaphore, #tpu.memory_space<semaphore_mem>>) {add = true}
        %dma_wait3A = tpu.memref_slice %arg18[%mul3A_24] : memref<10000xf32, #tpu.memory_space<vmem>> -> memref<80xf32, #tpu.memory_space<vmem>>
        %dma_wait3A_30 = arith.constant 0 : i32
        %dma_wait3A_31 = tpu.memref_slice %arg16[%scan3A_22, %dma_wait3A_30] : memref<125x80xi32, #tpu.memory_space<vmem>> -> memref<1x80xi32, #tpu.memory_space<vmem>>
        %dma_wait3A_32 = tpu.memref_squeeze %dma_wait3A_31 : memref<1x80xi32, #tpu.memory_space<vmem>> -> memref<80xi32, #tpu.memory_space<vmem>>
        %dma_wait3A_33 = arith.constant 0 : i32
        %dma_wait3A_34 = tpu.memref_slice %arg21[%dma_wait3A_33] : memref<10000xf32, #tpu.memory_space<vmem_shared>> -> memref<10000xf32, #tpu.memory_space<vmem_shared>>
        tpu.wait_indirect_dma semaphore(%run_scoped3A : memref<!tpu.dma_semaphore, #tpu.memory_space<semaphore_mem>>) src(%dma_wait3A : memref<80xf32, #tpu.memory_space<vmem>>) dst(%dma_wait3A_34 : memref<10000xf32, #tpu.memory_space<vmem_shared>>)
        tpu.yield
      }) : () -> ()
      "tpu.region"() ({
        %run_scoped3A = tpu.sem_alloc : memref<!tpu.dma_semaphore, #tpu.memory_space<semaphore_mem>>
        %dma_start3A = tpu.memref_slice %arg19[%mul3A_24] : memref<10000xf32, #tpu.memory_space<vmem>> -> memref<80xf32, #tpu.memory_space<vmem>>
        %dma_start3A_25 = arith.constant 0 : i32
        %dma_start3A_26 = tpu.memref_slice %arg16[%scan3A_22, %dma_start3A_25] : memref<125x80xi32, #tpu.memory_space<vmem>> -> memref<1x80xi32, #tpu.memory_space<vmem>>
        %dma_start3A_27 = tpu.memref_squeeze %dma_start3A_26 : memref<1x80xi32, #tpu.memory_space<vmem>> -> memref<80xi32, #tpu.memory_space<vmem>>
        %dma_start3A_28 = arith.constant 0 : i32
        %dma_start3A_29 = tpu.memref_slice %arg22[%dma_start3A_28] : memref<10000xf32, #tpu.memory_space<vmem_shared>> -> memref<10000xf32, #tpu.memory_space<vmem_shared>>
        tpu.enqueue_indirect_dma source(%dma_start3A : memref<80xf32, #tpu.memory_space<vmem>>) target(%dma_start3A_29 : memref<10000xf32, #tpu.memory_space<vmem_shared>>) offsets(%dma_start3A_27 : memref<80xi32, #tpu.memory_space<vmem>>) semaphore(%run_scoped3A : memref<!tpu.dma_semaphore, #tpu.memory_space<semaphore_mem>>) {add = true}
        %dma_wait3A = tpu.memref_slice %arg19[%mul3A_24] : memref<10000xf32, #tpu.memory_space<vmem>> -> memref<80xf32, #tpu.memory_space<vmem>>
        %dma_wait3A_30 = arith.constant 0 : i32
        %dma_wait3A_31 = tpu.memref_slice %arg16[%scan3A_22, %dma_wait3A_30] : memref<125x80xi32, #tpu.memory_space<vmem>> -> memref<1x80xi32, #tpu.memory_space<vmem>>
        %dma_wait3A_32 = tpu.memref_squeeze %dma_wait3A_31 : memref<1x80xi32, #tpu.memory_space<vmem>> -> memref<80xi32, #tpu.memory_space<vmem>>
        %dma_wait3A_33 = arith.constant 0 : i32
        %dma_wait3A_34 = tpu.memref_slice %arg22[%dma_wait3A_33] : memref<10000xf32, #tpu.memory_space<vmem_shared>> -> memref<10000xf32, #tpu.memory_space<vmem_shared>>
        tpu.wait_indirect_dma semaphore(%run_scoped3A : memref<!tpu.dma_semaphore, #tpu.memory_space<semaphore_mem>>) src(%dma_wait3A : memref<80xf32, #tpu.memory_space<vmem>>) dst(%dma_wait3A_34 : memref<10000xf32, #tpu.memory_space<vmem_shared>>)
        tpu.yield
      }) : () -> ()
    }
    %scan3A_15 = arith.constant 125 : i32
    %barrier3A_16 = arith.constant 0 : index
    tpu.barrier barrier_id(%barrier3A_16)
    %lt3A_17 = arith.constant 10 : i32
    %lt3A_18 = arith.cmpi slt, %arg1, %lt3A_17 : i32
    %convert_element_type3A_19 = arith.extui %lt3A_18 : i1 to i32
    %cond3A_20 = arith.constant 0 : i32
    %cond3A_21 = arith.cmpi ne, %convert_element_type3A_19, %cond3A_20 : i32
    scf.if %cond3A_21 {
      %mul3A_22 = arith.constant 1000 : i32
      %mul3A_23 = arith.muli %arg1, %mul3A_22 : i32
      %eq3A_24 = arith.constant 0 : i32
      %eq3A_25 = arith.cmpi eq, %arg0, %eq3A_24 : i32
      %convert_element_type3A_26 = arith.extui %eq3A_25 : i1 to i32
      %cond3A_27 = arith.constant 0 : i32
      %cond3A_28 = arith.cmpi ne, %convert_element_type3A_26, %cond3A_27 : i32
      scf.if %cond3A_28 {
        "tpu.region"() ({
          %run_scoped3A = tpu.sem_alloc : memref<!tpu.dma_semaphore, #tpu.memory_space<semaphore_mem>>
          %dma_start3A = tpu.memref_slice %arg10[%mul3A_23] : memref<10000xf32, #tpu.memory_space<hbm>> -> memref<1000xf32, #tpu.memory_space<hbm>>
          %dma_start3A_34 = tpu.memref_slice %arg20[%mul3A_23] : memref<10000xf32, #tpu.memory_space<vmem_shared>> -> memref<1000xf32, #tpu.memory_space<vmem_shared>>
          tpu.enqueue_dma source(%dma_start3A_34 : memref<1000xf32, #tpu.memory_space<vmem_shared>>) target(%dma_start3A : memref<1000xf32, #tpu.memory_space<hbm>>) target_semaphore(%run_scoped3A : memref<!tpu.dma_semaphore, #tpu.memory_space<semaphore_mem>>)
          %dma_wait3A = tpu.memref_slice %arg10[%mul3A_23] : memref<10000xf32, #tpu.memory_space<hbm>> -> memref<1000xf32, #tpu.memory_space<hbm>>
          %dma_wait3A_35 = tpu.memref_slice %arg20[%mul3A_23] : memref<10000xf32, #tpu.memory_space<vmem_shared>> -> memref<1000xf32, #tpu.memory_space<vmem_shared>>
          tpu.wait_dma2 semaphore(%run_scoped3A : memref<!tpu.dma_semaphore, #tpu.memory_space<semaphore_mem>>) src(%dma_wait3A_35 : memref<1000xf32, #tpu.memory_space<vmem_shared>>) dst(%dma_wait3A : memref<1000xf32, #tpu.memory_space<hbm>>)
          tpu.yield
        }) : () -> ()
        "tpu.region"() ({
          %run_scoped3A = tpu.sem_alloc : memref<!tpu.dma_semaphore, #tpu.memory_space<semaphore_mem>>
          %dma_start3A = tpu.memref_slice %arg11[%mul3A_23] : memref<10000xf32, #tpu.memory_space<hbm>> -> memref<1000xf32, #tpu.memory_space<hbm>>
          %dma_start3A_34 = tpu.memref_slice %arg21[%mul3A_23] : memref<10000xf32, #tpu.memory_space<vmem_shared>> -> memref<1000xf32, #tpu.memory_space<vmem_shared>>
          tpu.enqueue_dma source(%dma_start3A_34 : memref<1000xf32, #tpu.memory_space<vmem_shared>>) target(%dma_start3A : memref<1000xf32, #tpu.memory_space<hbm>>) target_semaphore(%run_scoped3A : memref<!tpu.dma_semaphore, #tpu.memory_space<semaphore_mem>>)
          %dma_wait3A = tpu.memref_slice %arg11[%mul3A_23] : memref<10000xf32, #tpu.memory_space<hbm>> -> memref<1000xf32, #tpu.memory_space<hbm>>
          %dma_wait3A_35 = tpu.memref_slice %arg21[%mul3A_23] : memref<10000xf32, #tpu.memory_space<vmem_shared>> -> memref<1000xf32, #tpu.memory_space<vmem_shared>>
          tpu.wait_dma2 semaphore(%run_scoped3A : memref<!tpu.dma_semaphore, #tpu.memory_space<semaphore_mem>>) src(%dma_wait3A_35 : memref<1000xf32, #tpu.memory_space<vmem_shared>>) dst(%dma_wait3A : memref<1000xf32, #tpu.memory_space<hbm>>)
          tpu.yield
        }) : () -> ()
        "tpu.region"() ({
          %run_scoped3A = tpu.sem_alloc : memref<!tpu.dma_semaphore, #tpu.memory_space<semaphore_mem>>
          %dma_start3A = tpu.memref_slice %arg12[%mul3A_23] : memref<10000xf32, #tpu.memory_space<hbm>> -> memref<1000xf32, #tpu.memory_space<hbm>>
          %dma_start3A_34 = tpu.memref_slice %arg22[%mul3A_23] : memref<10000xf32, #tpu.memory_space<vmem_shared>> -> memref<1000xf32, #tpu.memory_space<vmem_shared>>
          tpu.enqueue_dma source(%dma_start3A_34 : memref<1000xf32, #tpu.memory_space<vmem_shared>>) target(%dma_start3A : memref<1000xf32, #tpu.memory_space<hbm>>) target_semaphore(%run_scoped3A : memref<!tpu.dma_semaphore, #tpu.memory_space<semaphore_mem>>)
          %dma_wait3A = tpu.memref_slice %arg12[%mul3A_23] : memref<10000xf32, #tpu.memory_space<hbm>> -> memref<1000xf32, #tpu.memory_space<hbm>>
          %dma_wait3A_35 = tpu.memref_slice %arg22[%mul3A_23] : memref<10000xf32, #tpu.memory_space<vmem_shared>> -> memref<1000xf32, #tpu.memory_space<vmem_shared>>
          tpu.wait_dma2 semaphore(%run_scoped3A : memref<!tpu.dma_semaphore, #tpu.memory_space<semaphore_mem>>) src(%dma_wait3A_35 : memref<1000xf32, #tpu.memory_space<vmem_shared>>) dst(%dma_wait3A : memref<1000xf32, #tpu.memory_space<hbm>>)
          tpu.yield
        }) : () -> ()
      } else {
      }
      %eq3A_29 = arith.constant 1 : i32
      %eq3A_30 = arith.cmpi eq, %arg0, %eq3A_29 : i32
      %convert_element_type3A_31 = arith.extui %eq3A_30 : i1 to i32
      %cond3A_32 = arith.constant 0 : i32
      %cond3A_33 = arith.cmpi ne, %convert_element_type3A_31, %cond3A_32 : i32
      scf.if %cond3A_33 {
        "tpu.region"() ({
          %run_scoped3A = tpu.sem_alloc : memref<!tpu.dma_semaphore, #tpu.memory_space<semaphore_mem>>
          %dma_start3A = tpu.memref_slice %arg13[%mul3A_23] : memref<10000xf32, #tpu.memory_space<hbm>> -> memref<1000xf32, #tpu.memory_space<hbm>>
          %dma_start3A_34 = tpu.memref_slice %arg20[%mul3A_23] : memref<10000xf32, #tpu.memory_space<vmem_shared>> -> memref<1000xf32, #tpu.memory_space<vmem_shared>>
          tpu.enqueue_dma source(%dma_start3A_34 : memref<1000xf32, #tpu.memory_space<vmem_shared>>) target(%dma_start3A : memref<1000xf32, #tpu.memory_space<hbm>>) target_semaphore(%run_scoped3A : memref<!tpu.dma_semaphore, #tpu.memory_space<semaphore_mem>>)
          %dma_wait3A = tpu.memref_slice %arg13[%mul3A_23] : memref<10000xf32, #tpu.memory_space<hbm>> -> memref<1000xf32, #tpu.memory_space<hbm>>
          %dma_wait3A_35 = tpu.memref_slice %arg20[%mul3A_23] : memref<10000xf32, #tpu.memory_space<vmem_shared>> -> memref<1000xf32, #tpu.memory_space<vmem_shared>>
          tpu.wait_dma2 semaphore(%run_scoped3A : memref<!tpu.dma_semaphore, #tpu.memory_space<semaphore_mem>>) src(%dma_wait3A_35 : memref<1000xf32, #tpu.memory_space<vmem_shared>>) dst(%dma_wait3A : memref<1000xf32, #tpu.memory_space<hbm>>)
          tpu.yield
        }) : () -> ()
        "tpu.region"() ({
          %run_scoped3A = tpu.sem_alloc : memref<!tpu.dma_semaphore, #tpu.memory_space<semaphore_mem>>
          %dma_start3A = tpu.memref_slice %arg14[%mul3A_23] : memref<10000xf32, #tpu.memory_space<hbm>> -> memref<1000xf32, #tpu.memory_space<hbm>>
          %dma_start3A_34 = tpu.memref_slice %arg21[%mul3A_23] : memref<10000xf32, #tpu.memory_space<vmem_shared>> -> memref<1000xf32, #tpu.memory_space<vmem_shared>>
          tpu.enqueue_dma source(%dma_start3A_34 : memref<1000xf32, #tpu.memory_space<vmem_shared>>) target(%dma_start3A : memref<1000xf32, #tpu.memory_space<hbm>>) target_semaphore(%run_scoped3A : memref<!tpu.dma_semaphore, #tpu.memory_space<semaphore_mem>>)
          %dma_wait3A = tpu.memref_slice %arg14[%mul3A_23] : memref<10000xf32, #tpu.memory_space<hbm>> -> memref<1000xf32, #tpu.memory_space<hbm>>
          %dma_wait3A_35 = tpu.memref_slice %arg21[%mul3A_23] : memref<10000xf32, #tpu.memory_space<vmem_shared>> -> memref<1000xf32, #tpu.memory_space<vmem_shared>>
          tpu.wait_dma2 semaphore(%run_scoped3A : memref<!tpu.dma_semaphore, #tpu.memory_space<semaphore_mem>>) src(%dma_wait3A_35 : memref<1000xf32, #tpu.memory_space<vmem_shared>>) dst(%dma_wait3A : memref<1000xf32, #tpu.memory_space<hbm>>)
          tpu.yield
        }) : () -> ()
        "tpu.region"() ({
          %run_scoped3A = tpu.sem_alloc : memref<!tpu.dma_semaphore, #tpu.memory_space<semaphore_mem>>
          %dma_start3A = tpu.memref_slice %arg15[%mul3A_23] : memref<10000xf32, #tpu.memory_space<hbm>> -> memref<1000xf32, #tpu.memory_space<hbm>>
          %dma_start3A_34 = tpu.memref_slice %arg22[%mul3A_23] : memref<10000xf32, #tpu.memory_space<vmem_shared>> -> memref<1000xf32, #tpu.memory_space<vmem_shared>>
          tpu.enqueue_dma source(%dma_start3A_34 : memref<1000xf32, #tpu.memory_space<vmem_shared>>) target(%dma_start3A : memref<1000xf32, #tpu.memory_space<hbm>>) target_semaphore(%run_scoped3A : memref<!tpu.dma_semaphore, #tpu.memory_space<semaphore_mem>>)
          %dma_wait3A = tpu.memref_slice %arg15[%mul3A_23] : memref<10000xf32, #tpu.memory_space<hbm>> -> memref<1000xf32, #tpu.memory_space<hbm>>
          %dma_wait3A_35 = tpu.memref_slice %arg22[%mul3A_23] : memref<10000xf32, #tpu.memory_space<vmem_shared>> -> memref<1000xf32, #tpu.memory_space<vmem_shared>>
          tpu.wait_dma2 semaphore(%run_scoped3A : memref<!tpu.dma_semaphore, #tpu.memory_space<semaphore_mem>>) src(%dma_wait3A_35 : memref<1000xf32, #tpu.memory_space<vmem_shared>>) dst(%dma_wait3A : memref<1000xf32, #tpu.memory_space<hbm>>)
          tpu.yield
        }) : () -> ()
      } else {
      }
    } else {
    }
    return
  }
}

#map = affine_map<(d0, d1) -> (0, 0)>
#map1 = affine_map<(d0, d1) -> (0)>
module attributes {stable_mosaic.version = 14 : i64} {
  func.func @k(%arg0: i32, %arg1: i32, %arg2: memref<10000x64xi32, #tpu.memory_space<hbm>>, %arg3: memref<10000x64xi32, #tpu.memory_space<hbm>>, %arg4: memref<160000xi32, #tpu.memory_space<hbm>>, %arg5: memref<160000xi32, #tpu.memory_space<hbm>>, %arg6: memref<160000x128xi32, #tpu.memory_space<hbm>>, %arg7: memref<5000xi32, #tpu.memory_space<vmem>>, %arg8: memref<5000xi32, #tpu.memory_space<vmem>>, %arg9: memref<40x64xi32, #tpu.memory_space<vmem>>, %arg10: memref<40x64xi32, #tpu.memory_space<vmem>>, %arg11: memref<40x64xi32, #tpu.memory_space<vmem>>, %arg12: memref<40x64xi32, #tpu.memory_space<vmem>>, %arg13: memref<!tpu.dma_semaphore, #tpu.memory_space<semaphore_mem>>, %arg14: memref<!tpu.dma_semaphore, #tpu.memory_space<semaphore_mem>>, %arg15: memref<!tpu.dma_semaphore, #tpu.memory_space<semaphore_mem>>, %arg16: memref<!tpu.dma_semaphore, #tpu.memory_space<semaphore_mem>>, %arg17: memref<!tpu.dma_semaphore, #tpu.memory_space<semaphore_mem>>, %arg18: memref<!tpu.dma_semaphore, #tpu.memory_space<semaphore_mem>>, %arg19: memref<!tpu.dma_semaphore, #tpu.memory_space<semaphore_mem>>, %arg20: memref<!tpu.dma_semaphore, #tpu.memory_space<semaphore_mem>>) attributes {dimension_semantics = [#tpu.dimension_semantics<core_parallel>, #tpu.dimension_semantics<subcore_parallel>], iteration_bounds = array<i64: 2, 16>, scalar_prefetch = 0 : i64, scratch_operands = 14 : i64, tpu.core_type = #tpu.core_type<sc_vector_subcore>, window_params = [{transform_indices = #map}, {transform_indices = #map}, {transform_indices = #map1}, {transform_indices = #map1}, {transform_indices = #map}]} {
    %mul3A = arith.constant 2 : i32
    %mul3A_0 = arith.muli %arg1, %mul3A : i32
    %add3A = arith.addi %mul3A_0, %arg0 : i32
    %mul3A_1 = arith.constant 5000 : i32
    %mul3A_2 = arith.muli %add3A, %mul3A_1 : i32
    "tpu.region"() ({
      %run_scoped3A = tpu.sem_alloc : memref<!tpu.dma_semaphore, #tpu.memory_space<semaphore_mem>>
      %dma_start3A_74 = tpu.memref_slice %arg4[%mul3A_2] : memref<160000xi32, #tpu.memory_space<hbm>> -> memref<5000xi32, #tpu.memory_space<hbm>>
      %dma_start3A_75 = tpu.memref_slice %arg4[%mul3A_2] : memref<160000xi32, #tpu.memory_space<hbm>> -> memref<5000xi32, #tpu.memory_space<hbm>>
      tpu.enqueue_dma source(%dma_start3A_75 : memref<5000xi32, #tpu.memory_space<hbm>>) target(%arg7 : memref<5000xi32, #tpu.memory_space<vmem>>) target_semaphore(%run_scoped3A : memref<!tpu.dma_semaphore, #tpu.memory_space<semaphore_mem>>)
      %dma_wait3A_76 = tpu.memref_slice %arg4[%mul3A_2] : memref<160000xi32, #tpu.memory_space<hbm>> -> memref<5000xi32, #tpu.memory_space<hbm>>
      %dma_wait3A_77 = tpu.memref_slice %arg4[%mul3A_2] : memref<160000xi32, #tpu.memory_space<hbm>> -> memref<5000xi32, #tpu.memory_space<hbm>>
      tpu.wait_dma2 semaphore(%run_scoped3A : memref<!tpu.dma_semaphore, #tpu.memory_space<semaphore_mem>>) src(%dma_wait3A_77 : memref<5000xi32, #tpu.memory_space<hbm>>) dst(%arg7 : memref<5000xi32, #tpu.memory_space<vmem>>)
      tpu.yield
    }) : () -> ()
    "tpu.region"() ({
      %run_scoped3A = tpu.sem_alloc : memref<!tpu.dma_semaphore, #tpu.memory_space<semaphore_mem>>
      %dma_start3A_74 = tpu.memref_slice %arg5[%mul3A_2] : memref<160000xi32, #tpu.memory_space<hbm>> -> memref<5000xi32, #tpu.memory_space<hbm>>
      %dma_start3A_75 = tpu.memref_slice %arg5[%mul3A_2] : memref<160000xi32, #tpu.memory_space<hbm>> -> memref<5000xi32, #tpu.memory_space<hbm>>
      tpu.enqueue_dma source(%dma_start3A_75 : memref<5000xi32, #tpu.memory_space<hbm>>) target(%arg8 : memref<5000xi32, #tpu.memory_space<vmem>>) target_semaphore(%run_scoped3A : memref<!tpu.dma_semaphore, #tpu.memory_space<semaphore_mem>>)
      %dma_wait3A_76 = tpu.memref_slice %arg5[%mul3A_2] : memref<160000xi32, #tpu.memory_space<hbm>> -> memref<5000xi32, #tpu.memory_space<hbm>>
      %dma_wait3A_77 = tpu.memref_slice %arg5[%mul3A_2] : memref<160000xi32, #tpu.memory_space<hbm>> -> memref<5000xi32, #tpu.memory_space<hbm>>
      tpu.wait_dma2 semaphore(%run_scoped3A : memref<!tpu.dma_semaphore, #tpu.memory_space<semaphore_mem>>) src(%dma_wait3A_77 : memref<5000xi32, #tpu.memory_space<hbm>>) dst(%arg8 : memref<5000xi32, #tpu.memory_space<vmem>>)
      tpu.yield
    }) : () -> ()
    %scan3A = arith.constant 0 : i32
    %scan3A_3 = arith.constant 0 : i32
    %scan3A_4 = arith.constant 62 : i32
    %scan3A_5 = arith.addi %scan3A_3, %scan3A_4 : i32
    %scan3A_6 = arith.constant 1 : i32
    scf.for %scan3A_74 = %scan3A_3 to %scan3A_5 step %scan3A_6  : i32 {
      %mul3A_75 = arith.constant 2 : i32
      %mul3A_76 = arith.muli %mul3A_75, %scan3A_74 : i32
      %mul3A_77 = arith.constant 2 : i32
      %mul3A_78 = arith.muli %mul3A_77, %scan3A_74 : i32
      %add3A_79 = arith.constant 1 : i32
      %add3A_80 = arith.addi %mul3A_78, %add3A_79 : i32
      %gt3A = arith.constant 0 : i32
      %gt3A_81 = arith.cmpi sgt, %scan3A_74, %gt3A : i32
      %convert_element_type3A = arith.extui %gt3A_81 : i1 to i32
      %cond3A = arith.constant 0 : i32
      %cond3A_82 = arith.cmpi ne, %convert_element_type3A, %cond3A : i32
      scf.if %cond3A_82 {
        %add3A_147 = arith.constant 0 : i32
        %add3A_148 = arith.addi %mul3A_2, %add3A_147 : i32
        %dma_wait3A_149 = arith.constant 0 : i32
        %dma_wait3A_150 = tpu.memref_slice %arg6[%add3A_148, %dma_wait3A_149] : memref<160000x128xi32, #tpu.memory_space<hbm>> -> memref<40x64xi32, #tpu.memory_space<hbm>>
        %dma_wait3A_151 = arith.constant 0 : i32
        %dma_wait3A_152 = tpu.memref_slice %arg6[%add3A_148, %dma_wait3A_151] : memref<160000x128xi32, #tpu.memory_space<hbm>> -> memref<40x64xi32, #tpu.memory_space<hbm>>
        tpu.wait_dma2 semaphore(%arg17 : memref<!tpu.dma_semaphore, #tpu.memory_space<semaphore_mem>>) src(%arg9 : memref<40x64xi32, #tpu.memory_space<vmem>>) dst(%dma_wait3A_152 : memref<40x64xi32, #tpu.memory_space<hbm>>)
        %add3A_153 = arith.constant 0 : i32
        %add3A_154 = arith.addi %mul3A_2, %add3A_153 : i32
        %dma_wait3A_155 = arith.constant 64 : i32
        %dma_wait3A_156 = tpu.memref_slice %arg6[%add3A_154, %dma_wait3A_155] : memref<160000x128xi32, #tpu.memory_space<hbm>> -> memref<40x64xi32, #tpu.memory_space<hbm>>
        %dma_wait3A_157 = arith.constant 64 : i32
        %dma_wait3A_158 = tpu.memref_slice %arg6[%add3A_154, %dma_wait3A_157] : memref<160000x128xi32, #tpu.memory_space<hbm>> -> memref<40x64xi32, #tpu.memory_space<hbm>>
        tpu.wait_dma2 semaphore(%arg18 : memref<!tpu.dma_semaphore, #tpu.memory_space<semaphore_mem>>) src(%arg10 : memref<40x64xi32, #tpu.memory_space<vmem>>) dst(%dma_wait3A_158 : memref<40x64xi32, #tpu.memory_space<hbm>>)
        %add3A_159 = arith.constant 0 : i32
        %add3A_160 = arith.addi %mul3A_2, %add3A_159 : i32
        %dma_wait3A_161 = arith.constant 0 : i32
        %dma_wait3A_162 = tpu.memref_slice %arg6[%add3A_160, %dma_wait3A_161] : memref<160000x128xi32, #tpu.memory_space<hbm>> -> memref<40x64xi32, #tpu.memory_space<hbm>>
        %dma_wait3A_163 = arith.constant 0 : i32
        %dma_wait3A_164 = tpu.memref_slice %arg6[%add3A_160, %dma_wait3A_163] : memref<160000x128xi32, #tpu.memory_space<hbm>> -> memref<40x64xi32, #tpu.memory_space<hbm>>
        tpu.wait_dma2 semaphore(%arg19 : memref<!tpu.dma_semaphore, #tpu.memory_space<semaphore_mem>>) src(%arg11 : memref<40x64xi32, #tpu.memory_space<vmem>>) dst(%dma_wait3A_164 : memref<40x64xi32, #tpu.memory_space<hbm>>)
        %add3A_165 = arith.constant 0 : i32
        %add3A_166 = arith.addi %mul3A_2, %add3A_165 : i32
        %dma_wait3A_167 = arith.constant 64 : i32
        %dma_wait3A_168 = tpu.memref_slice %arg6[%add3A_166, %dma_wait3A_167] : memref<160000x128xi32, #tpu.memory_space<hbm>> -> memref<40x64xi32, #tpu.memory_space<hbm>>
        %dma_wait3A_169 = arith.constant 64 : i32
        %dma_wait3A_170 = tpu.memref_slice %arg6[%add3A_166, %dma_wait3A_169] : memref<160000x128xi32, #tpu.memory_space<hbm>> -> memref<40x64xi32, #tpu.memory_space<hbm>>
        tpu.wait_dma2 semaphore(%arg20 : memref<!tpu.dma_semaphore, #tpu.memory_space<semaphore_mem>>) src(%arg12 : memref<40x64xi32, #tpu.memory_space<vmem>>) dst(%dma_wait3A_170 : memref<40x64xi32, #tpu.memory_space<hbm>>)
      } else {
      }
      %mul3A_83 = arith.constant 40 : i32
      %mul3A_84 = arith.muli %mul3A_76, %mul3A_83 : i32
      %dma_start3A_85 = tpu.memref_slice %arg7[%mul3A_84] : memref<5000xi32, #tpu.memory_space<vmem>> -> memref<40xi32, #tpu.memory_space<vmem>>
      %dma_start3A_86 = arith.constant 0 : i32
      %dma_start3A_87 = arith.constant 0 : i32
      %dma_start3A_88 = tpu.memref_slice %arg2[%dma_start3A_86, %dma_start3A_87] : memref<10000x64xi32, #tpu.memory_space<hbm>> -> memref<10000x64xi32, #tpu.memory_space<hbm>>
      tpu.enqueue_indirect_dma source(%dma_start3A_88 : memref<10000x64xi32, #tpu.memory_space<hbm>>) target(%arg9 : memref<40x64xi32, #tpu.memory_space<vmem>>) offsets(%dma_start3A_85 : memref<40xi32, #tpu.memory_space<vmem>>) semaphore(%arg13 : memref<!tpu.dma_semaphore, #tpu.memory_space<semaphore_mem>>)
      %dma_start3A_89 = tpu.memref_slice %arg8[%mul3A_84] : memref<5000xi32, #tpu.memory_space<vmem>> -> memref<40xi32, #tpu.memory_space<vmem>>
      %dma_start3A_90 = arith.constant 0 : i32
      %dma_start3A_91 = arith.constant 0 : i32
      %dma_start3A_92 = tpu.memref_slice %arg3[%dma_start3A_90, %dma_start3A_91] : memref<10000x64xi32, #tpu.memory_space<hbm>> -> memref<10000x64xi32, #tpu.memory_space<hbm>>
      tpu.enqueue_indirect_dma source(%dma_start3A_92 : memref<10000x64xi32, #tpu.memory_space<hbm>>) target(%arg10 : memref<40x64xi32, #tpu.memory_space<vmem>>) offsets(%dma_start3A_89 : memref<40xi32, #tpu.memory_space<vmem>>) semaphore(%arg14 : memref<!tpu.dma_semaphore, #tpu.memory_space<semaphore_mem>>)
      %mul3A_93 = arith.constant 40 : i32
      %mul3A_94 = arith.muli %add3A_80, %mul3A_93 : i32
      %dma_start3A_95 = tpu.memref_slice %arg7[%mul3A_94] : memref<5000xi32, #tpu.memory_space<vmem>> -> memref<40xi32, #tpu.memory_space<vmem>>
      %dma_start3A_96 = arith.constant 0 : i32
      %dma_start3A_97 = arith.constant 0 : i32
      %dma_start3A_98 = tpu.memref_slice %arg2[%dma_start3A_96, %dma_start3A_97] : memref<10000x64xi32, #tpu.memory_space<hbm>> -> memref<10000x64xi32, #tpu.memory_space<hbm>>
      tpu.enqueue_indirect_dma source(%dma_start3A_98 : memref<10000x64xi32, #tpu.memory_space<hbm>>) target(%arg11 : memref<40x64xi32, #tpu.memory_space<vmem>>) offsets(%dma_start3A_95 : memref<40xi32, #tpu.memory_space<vmem>>) semaphore(%arg15 : memref<!tpu.dma_semaphore, #tpu.memory_space<semaphore_mem>>)
      %dma_start3A_99 = tpu.memref_slice %arg8[%mul3A_94] : memref<5000xi32, #tpu.memory_space<vmem>> -> memref<40xi32, #tpu.memory_space<vmem>>
      %dma_start3A_100 = arith.constant 0 : i32
      %dma_start3A_101 = arith.constant 0 : i32
      %dma_start3A_102 = tpu.memref_slice %arg3[%dma_start3A_100, %dma_start3A_101] : memref<10000x64xi32, #tpu.memory_space<hbm>> -> memref<10000x64xi32, #tpu.memory_space<hbm>>
      tpu.enqueue_indirect_dma source(%dma_start3A_102 : memref<10000x64xi32, #tpu.memory_space<hbm>>) target(%arg12 : memref<40x64xi32, #tpu.memory_space<vmem>>) offsets(%dma_start3A_99 : memref<40xi32, #tpu.memory_space<vmem>>) semaphore(%arg16 : memref<!tpu.dma_semaphore, #tpu.memory_space<semaphore_mem>>)
      %dma_wait3A_103 = tpu.memref_slice %arg7[%mul3A_84] : memref<5000xi32, #tpu.memory_space<vmem>> -> memref<40xi32, #tpu.memory_space<vmem>>
      %dma_wait3A_104 = arith.constant 0 : i32
      %dma_wait3A_105 = arith.constant 0 : i32
      %dma_wait3A_106 = tpu.memref_slice %arg2[%dma_wait3A_104, %dma_wait3A_105] : memref<10000x64xi32, #tpu.memory_space<hbm>> -> memref<10000x64xi32, #tpu.memory_space<hbm>>
      tpu.wait_indirect_dma semaphore(%arg13 : memref<!tpu.dma_semaphore, #tpu.memory_space<semaphore_mem>>) src(%dma_wait3A_106 : memref<10000x64xi32, #tpu.memory_space<hbm>>) dst(%arg9 : memref<40x64xi32, #tpu.memory_space<vmem>>)
      %dma_wait3A_107 = tpu.memref_slice %arg8[%mul3A_84] : memref<5000xi32, #tpu.memory_space<vmem>> -> memref<40xi32, #tpu.memory_space<vmem>>
      %dma_wait3A_108 = arith.constant 0 : i32
      %dma_wait3A_109 = arith.constant 0 : i32
      %dma_wait3A_110 = tpu.memref_slice %arg3[%dma_wait3A_108, %dma_wait3A_109] : memref<10000x64xi32, #tpu.memory_space<hbm>> -> memref<10000x64xi32, #tpu.memory_space<hbm>>
      tpu.wait_indirect_dma semaphore(%arg14 : memref<!tpu.dma_semaphore, #tpu.memory_space<semaphore_mem>>) src(%dma_wait3A_110 : memref<10000x64xi32, #tpu.memory_space<hbm>>) dst(%arg10 : memref<40x64xi32, #tpu.memory_space<vmem>>)
      %mul3A_111 = arith.constant 40 : i32
      %mul3A_112 = arith.muli %mul3A_76, %mul3A_111 : i32
      %add3A_113 = arith.addi %mul3A_2, %mul3A_112 : i32
      %dma_start3A_114 = arith.constant 0 : i32
      %dma_start3A_115 = tpu.memref_slice %arg6[%add3A_113, %dma_start3A_114] : memref<160000x128xi32, #tpu.memory_space<hbm>> -> memref<40x64xi32, #tpu.memory_space<hbm>>
      %dma_start3A_116 = arith.constant 0 : i32
      %dma_start3A_117 = tpu.memref_slice %arg6[%add3A_113, %dma_start3A_116] : memref<160000x128xi32, #tpu.memory_space<hbm>> -> memref<40x64xi32, #tpu.memory_space<hbm>>
      tpu.enqueue_dma source(%arg9 : memref<40x64xi32, #tpu.memory_space<vmem>>) target(%dma_start3A_117 : memref<40x64xi32, #tpu.memory_space<hbm>>) target_semaphore(%arg17 : memref<!tpu.dma_semaphore, #tpu.memory_space<semaphore_mem>>)
      %mul3A_118 = arith.constant 40 : i32
      %mul3A_119 = arith.muli %mul3A_76, %mul3A_118 : i32
      %add3A_120 = arith.addi %mul3A_2, %mul3A_119 : i32
      %dma_start3A_121 = arith.constant 64 : i32
      %dma_start3A_122 = tpu.memref_slice %arg6[%add3A_120, %dma_start3A_121] : memref<160000x128xi32, #tpu.memory_space<hbm>> -> memref<40x64xi32, #tpu.memory_space<hbm>>
      %dma_start3A_123 = arith.constant 64 : i32
      %dma_start3A_124 = tpu.memref_slice %arg6[%add3A_120, %dma_start3A_123] : memref<160000x128xi32, #tpu.memory_space<hbm>> -> memref<40x64xi32, #tpu.memory_space<hbm>>
      tpu.enqueue_dma source(%arg10 : memref<40x64xi32, #tpu.memory_space<vmem>>) target(%dma_start3A_124 : memref<40x64xi32, #tpu.memory_space<hbm>>) target_semaphore(%arg18 : memref<!tpu.dma_semaphore, #tpu.memory_space<semaphore_mem>>)
      %dma_wait3A_125 = tpu.memref_slice %arg7[%mul3A_94] : memref<5000xi32, #tpu.memory_space<vmem>> -> memref<40xi32, #tpu.memory_space<vmem>>
      %dma_wait3A_126 = arith.constant 0 : i32
      %dma_wait3A_127 = arith.constant 0 : i32
      %dma_wait3A_128 = tpu.memref_slice %arg2[%dma_wait3A_126, %dma_wait3A_127] : memref<10000x64xi32, #tpu.memory_space<hbm>> -> memref<10000x64xi32, #tpu.memory_space<hbm>>
      tpu.wait_indirect_dma semaphore(%arg15 : memref<!tpu.dma_semaphore, #tpu.memory_space<semaphore_mem>>) src(%dma_wait3A_128 : memref<10000x64xi32, #tpu.memory_space<hbm>>) dst(%arg11 : memref<40x64xi32, #tpu.memory_space<vmem>>)
      %dma_wait3A_129 = tpu.memref_slice %arg8[%mul3A_94] : memref<5000xi32, #tpu.memory_space<vmem>> -> memref<40xi32, #tpu.memory_space<vmem>>
      %dma_wait3A_130 = arith.constant 0 : i32
      %dma_wait3A_131 = arith.constant 0 : i32
      %dma_wait3A_132 = tpu.memref_slice %arg3[%dma_wait3A_130, %dma_wait3A_131] : memref<10000x64xi32, #tpu.memory_space<hbm>> -> memref<10000x64xi32, #tpu.memory_space<hbm>>
      tpu.wait_indirect_dma semaphore(%arg16 : memref<!tpu.dma_semaphore, #tpu.memory_space<semaphore_mem>>) src(%dma_wait3A_132 : memref<10000x64xi32, #tpu.memory_space<hbm>>) dst(%arg12 : memref<40x64xi32, #tpu.memory_space<vmem>>)
      %mul3A_133 = arith.constant 40 : i32
      %mul3A_134 = arith.muli %add3A_80, %mul3A_133 : i32
      %add3A_135 = arith.addi %mul3A_2, %mul3A_134 : i32
      %dma_start3A_136 = arith.constant 0 : i32
      %dma_start3A_137 = tpu.memref_slice %arg6[%add3A_135, %dma_start3A_136] : memref<160000x128xi32, #tpu.memory_space<hbm>> -> memref<40x64xi32, #tpu.memory_space<hbm>>
      %dma_start3A_138 = arith.constant 0 : i32
      %dma_start3A_139 = tpu.memref_slice %arg6[%add3A_135, %dma_start3A_138] : memref<160000x128xi32, #tpu.memory_space<hbm>> -> memref<40x64xi32, #tpu.memory_space<hbm>>
      tpu.enqueue_dma source(%arg11 : memref<40x64xi32, #tpu.memory_space<vmem>>) target(%dma_start3A_139 : memref<40x64xi32, #tpu.memory_space<hbm>>) target_semaphore(%arg19 : memref<!tpu.dma_semaphore, #tpu.memory_space<semaphore_mem>>)
      %mul3A_140 = arith.constant 40 : i32
      %mul3A_141 = arith.muli %add3A_80, %mul3A_140 : i32
      %add3A_142 = arith.addi %mul3A_2, %mul3A_141 : i32
      %dma_start3A_143 = arith.constant 64 : i32
      %dma_start3A_144 = tpu.memref_slice %arg6[%add3A_142, %dma_start3A_143] : memref<160000x128xi32, #tpu.memory_space<hbm>> -> memref<40x64xi32, #tpu.memory_space<hbm>>
      %dma_start3A_145 = arith.constant 64 : i32
      %dma_start3A_146 = tpu.memref_slice %arg6[%add3A_142, %dma_start3A_145] : memref<160000x128xi32, #tpu.memory_space<hbm>> -> memref<40x64xi32, #tpu.memory_space<hbm>>
      tpu.enqueue_dma source(%arg12 : memref<40x64xi32, #tpu.memory_space<vmem>>) target(%dma_start3A_146 : memref<40x64xi32, #tpu.memory_space<hbm>>) target_semaphore(%arg20 : memref<!tpu.dma_semaphore, #tpu.memory_space<semaphore_mem>>)
    }
    %scan3A_7 = arith.constant 62 : i32
    %add3A_8 = arith.constant 0 : i32
    %add3A_9 = arith.addi %mul3A_2, %add3A_8 : i32
    %dma_wait3A = arith.constant 0 : i32
    %dma_wait3A_10 = tpu.memref_slice %arg6[%add3A_9, %dma_wait3A] : memref<160000x128xi32, #tpu.memory_space<hbm>> -> memref<40x64xi32, #tpu.memory_space<hbm>>
    %dma_wait3A_11 = arith.constant 0 : i32
    %dma_wait3A_12 = tpu.memref_slice %arg6[%add3A_9, %dma_wait3A_11] : memref<160000x128xi32, #tpu.memory_space<hbm>> -> memref<40x64xi32, #tpu.memory_space<hbm>>
    tpu.wait_dma2 semaphore(%arg17 : memref<!tpu.dma_semaphore, #tpu.memory_space<semaphore_mem>>) src(%arg9 : memref<40x64xi32, #tpu.memory_space<vmem>>) dst(%dma_wait3A_12 : memref<40x64xi32, #tpu.memory_space<hbm>>)
    %add3A_13 = arith.constant 0 : i32
    %add3A_14 = arith.addi %mul3A_2, %add3A_13 : i32
    %dma_wait3A_15 = arith.constant 64 : i32
    %dma_wait3A_16 = tpu.memref_slice %arg6[%add3A_14, %dma_wait3A_15] : memref<160000x128xi32, #tpu.memory_space<hbm>> -> memref<40x64xi32, #tpu.memory_space<hbm>>
    %dma_wait3A_17 = arith.constant 64 : i32
    %dma_wait3A_18 = tpu.memref_slice %arg6[%add3A_14, %dma_wait3A_17] : memref<160000x128xi32, #tpu.memory_space<hbm>> -> memref<40x64xi32, #tpu.memory_space<hbm>>
    tpu.wait_dma2 semaphore(%arg18 : memref<!tpu.dma_semaphore, #tpu.memory_space<semaphore_mem>>) src(%arg10 : memref<40x64xi32, #tpu.memory_space<vmem>>) dst(%dma_wait3A_18 : memref<40x64xi32, #tpu.memory_space<hbm>>)
    %dma_start3A = arith.constant 4960 : i32
    %dma_start3A_19 = tpu.memref_slice %arg7[%dma_start3A] : memref<5000xi32, #tpu.memory_space<vmem>> -> memref<40xi32, #tpu.memory_space<vmem>>
    %dma_start3A_20 = arith.constant 0 : i32
    %dma_start3A_21 = arith.constant 0 : i32
    %dma_start3A_22 = tpu.memref_slice %arg2[%dma_start3A_20, %dma_start3A_21] : memref<10000x64xi32, #tpu.memory_space<hbm>> -> memref<10000x64xi32, #tpu.memory_space<hbm>>
    tpu.enqueue_indirect_dma source(%dma_start3A_22 : memref<10000x64xi32, #tpu.memory_space<hbm>>) target(%arg9 : memref<40x64xi32, #tpu.memory_space<vmem>>) offsets(%dma_start3A_19 : memref<40xi32, #tpu.memory_space<vmem>>) semaphore(%arg13 : memref<!tpu.dma_semaphore, #tpu.memory_space<semaphore_mem>>)
    %dma_start3A_23 = arith.constant 4960 : i32
    %dma_start3A_24 = tpu.memref_slice %arg8[%dma_start3A_23] : memref<5000xi32, #tpu.memory_space<vmem>> -> memref<40xi32, #tpu.memory_space<vmem>>
    %dma_start3A_25 = arith.constant 0 : i32
    %dma_start3A_26 = arith.constant 0 : i32
    %dma_start3A_27 = tpu.memref_slice %arg3[%dma_start3A_25, %dma_start3A_26] : memref<10000x64xi32, #tpu.memory_space<hbm>> -> memref<10000x64xi32, #tpu.memory_space<hbm>>
    tpu.enqueue_indirect_dma source(%dma_start3A_27 : memref<10000x64xi32, #tpu.memory_space<hbm>>) target(%arg10 : memref<40x64xi32, #tpu.memory_space<vmem>>) offsets(%dma_start3A_24 : memref<40xi32, #tpu.memory_space<vmem>>) semaphore(%arg14 : memref<!tpu.dma_semaphore, #tpu.memory_space<semaphore_mem>>)
    %dma_wait3A_28 = arith.constant 4960 : i32
    %dma_wait3A_29 = tpu.memref_slice %arg7[%dma_wait3A_28] : memref<5000xi32, #tpu.memory_space<vmem>> -> memref<40xi32, #tpu.memory_space<vmem>>
    %dma_wait3A_30 = arith.constant 0 : i32
    %dma_wait3A_31 = arith.constant 0 : i32
    %dma_wait3A_32 = tpu.memref_slice %arg2[%dma_wait3A_30, %dma_wait3A_31] : memref<10000x64xi32, #tpu.memory_space<hbm>> -> memref<10000x64xi32, #tpu.memory_space<hbm>>
    tpu.wait_indirect_dma semaphore(%arg13 : memref<!tpu.dma_semaphore, #tpu.memory_space<semaphore_mem>>) src(%dma_wait3A_32 : memref<10000x64xi32, #tpu.memory_space<hbm>>) dst(%arg9 : memref<40x64xi32, #tpu.memory_space<vmem>>)
    %dma_wait3A_33 = arith.constant 4960 : i32
    %dma_wait3A_34 = tpu.memref_slice %arg8[%dma_wait3A_33] : memref<5000xi32, #tpu.memory_space<vmem>> -> memref<40xi32, #tpu.memory_space<vmem>>
    %dma_wait3A_35 = arith.constant 0 : i32
    %dma_wait3A_36 = arith.constant 0 : i32
    %dma_wait3A_37 = tpu.memref_slice %arg3[%dma_wait3A_35, %dma_wait3A_36] : memref<10000x64xi32, #tpu.memory_space<hbm>> -> memref<10000x64xi32, #tpu.memory_space<hbm>>
    tpu.wait_indirect_dma semaphore(%arg14 : memref<!tpu.dma_semaphore, #tpu.memory_space<semaphore_mem>>) src(%dma_wait3A_37 : memref<10000x64xi32, #tpu.memory_space<hbm>>) dst(%arg10 : memref<40x64xi32, #tpu.memory_space<vmem>>)
    %add3A_38 = arith.constant 4960 : i32
    %add3A_39 = arith.addi %mul3A_2, %add3A_38 : i32
    %dma_start3A_40 = arith.constant 0 : i32
    %dma_start3A_41 = tpu.memref_slice %arg6[%add3A_39, %dma_start3A_40] : memref<160000x128xi32, #tpu.memory_space<hbm>> -> memref<40x64xi32, #tpu.memory_space<hbm>>
    %dma_start3A_42 = arith.constant 0 : i32
    %dma_start3A_43 = tpu.memref_slice %arg6[%add3A_39, %dma_start3A_42] : memref<160000x128xi32, #tpu.memory_space<hbm>> -> memref<40x64xi32, #tpu.memory_space<hbm>>
    tpu.enqueue_dma source(%arg9 : memref<40x64xi32, #tpu.memory_space<vmem>>) target(%dma_start3A_43 : memref<40x64xi32, #tpu.memory_space<hbm>>) target_semaphore(%arg17 : memref<!tpu.dma_semaphore, #tpu.memory_space<semaphore_mem>>)
    %add3A_44 = arith.constant 4960 : i32
    %add3A_45 = arith.addi %mul3A_2, %add3A_44 : i32
    %dma_start3A_46 = arith.constant 64 : i32
    %dma_start3A_47 = tpu.memref_slice %arg6[%add3A_45, %dma_start3A_46] : memref<160000x128xi32, #tpu.memory_space<hbm>> -> memref<40x64xi32, #tpu.memory_space<hbm>>
    %dma_start3A_48 = arith.constant 64 : i32
    %dma_start3A_49 = tpu.memref_slice %arg6[%add3A_45, %dma_start3A_48] : memref<160000x128xi32, #tpu.memory_space<hbm>> -> memref<40x64xi32, #tpu.memory_space<hbm>>
    tpu.enqueue_dma source(%arg10 : memref<40x64xi32, #tpu.memory_space<vmem>>) target(%dma_start3A_49 : memref<40x64xi32, #tpu.memory_space<hbm>>) target_semaphore(%arg18 : memref<!tpu.dma_semaphore, #tpu.memory_space<semaphore_mem>>)
    %add3A_50 = arith.constant 0 : i32
    %add3A_51 = arith.addi %mul3A_2, %add3A_50 : i32
    %dma_wait3A_52 = arith.constant 0 : i32
    %dma_wait3A_53 = tpu.memref_slice %arg6[%add3A_51, %dma_wait3A_52] : memref<160000x128xi32, #tpu.memory_space<hbm>> -> memref<40x64xi32, #tpu.memory_space<hbm>>
    %dma_wait3A_54 = arith.constant 0 : i32
    %dma_wait3A_55 = tpu.memref_slice %arg6[%add3A_51, %dma_wait3A_54] : memref<160000x128xi32, #tpu.memory_space<hbm>> -> memref<40x64xi32, #tpu.memory_space<hbm>>
    tpu.wait_dma2 semaphore(%arg19 : memref<!tpu.dma_semaphore, #tpu.memory_space<semaphore_mem>>) src(%arg11 : memref<40x64xi32, #tpu.memory_space<vmem>>) dst(%dma_wait3A_55 : memref<40x64xi32, #tpu.memory_space<hbm>>)
    %add3A_56 = arith.constant 0 : i32
    %add3A_57 = arith.addi %mul3A_2, %add3A_56 : i32
    %dma_wait3A_58 = arith.constant 64 : i32
    %dma_wait3A_59 = tpu.memref_slice %arg6[%add3A_57, %dma_wait3A_58] : memref<160000x128xi32, #tpu.memory_space<hbm>> -> memref<40x64xi32, #tpu.memory_space<hbm>>
    %dma_wait3A_60 = arith.constant 64 : i32
    %dma_wait3A_61 = tpu.memref_slice %arg6[%add3A_57, %dma_wait3A_60] : memref<160000x128xi32, #tpu.memory_space<hbm>> -> memref<40x64xi32, #tpu.memory_space<hbm>>
    tpu.wait_dma2 semaphore(%arg20 : memref<!tpu.dma_semaphore, #tpu.memory_space<semaphore_mem>>) src(%arg12 : memref<40x64xi32, #tpu.memory_space<vmem>>) dst(%dma_wait3A_61 : memref<40x64xi32, #tpu.memory_space<hbm>>)
    %add3A_62 = arith.constant 0 : i32
    %add3A_63 = arith.addi %mul3A_2, %add3A_62 : i32
    %dma_wait3A_64 = arith.constant 0 : i32
    %dma_wait3A_65 = tpu.memref_slice %arg6[%add3A_63, %dma_wait3A_64] : memref<160000x128xi32, #tpu.memory_space<hbm>> -> memref<40x64xi32, #tpu.memory_space<hbm>>
    %dma_wait3A_66 = arith.constant 0 : i32
    %dma_wait3A_67 = tpu.memref_slice %arg6[%add3A_63, %dma_wait3A_66] : memref<160000x128xi32, #tpu.memory_space<hbm>> -> memref<40x64xi32, #tpu.memory_space<hbm>>
    tpu.wait_dma2 semaphore(%arg17 : memref<!tpu.dma_semaphore, #tpu.memory_space<semaphore_mem>>) src(%arg9 : memref<40x64xi32, #tpu.memory_space<vmem>>) dst(%dma_wait3A_67 : memref<40x64xi32, #tpu.memory_space<hbm>>)
    %add3A_68 = arith.constant 0 : i32
    %add3A_69 = arith.addi %mul3A_2, %add3A_68 : i32
    %dma_wait3A_70 = arith.constant 64 : i32
    %dma_wait3A_71 = tpu.memref_slice %arg6[%add3A_69, %dma_wait3A_70] : memref<160000x128xi32, #tpu.memory_space<hbm>> -> memref<40x64xi32, #tpu.memory_space<hbm>>
    %dma_wait3A_72 = arith.constant 64 : i32
    %dma_wait3A_73 = tpu.memref_slice %arg6[%add3A_69, %dma_wait3A_72] : memref<160000x128xi32, #tpu.memory_space<hbm>> -> memref<40x64xi32, #tpu.memory_space<hbm>>
    tpu.wait_dma2 semaphore(%arg18 : memref<!tpu.dma_semaphore, #tpu.memory_space<semaphore_mem>>) src(%arg10 : memref<40x64xi32, #tpu.memory_space<vmem>>) dst(%dma_wait3A_73 : memref<40x64xi32, #tpu.memory_space<hbm>>)
    return
  }
}

#map = affine_map<(d0, d1) -> (0, 0)>
#map1 = affine_map<(d0, d1) -> (0)>
module attributes {stable_mosaic.version = 14 : i64} {
  func.func @k(%arg0: i32, %arg1: i32, %arg2: memref<10000x64xi32, #tpu.memory_space<hbm>>, %arg3: memref<10000x64xi32, #tpu.memory_space<hbm>>, %arg4: memref<160000xi32, #tpu.memory_space<hbm>>, %arg5: memref<160000xi32, #tpu.memory_space<hbm>>, %arg6: memref<160000x128xi32, #tpu.memory_space<hbm>>, %arg7: memref<5000xi32, #tpu.memory_space<vmem>>, %arg8: memref<5000xi32, #tpu.memory_space<vmem>>, %arg9: memref<40x64xi32, #tpu.memory_space<vmem>>, %arg10: memref<40x64xi32, #tpu.memory_space<vmem>>, %arg11: memref<40x64xi32, #tpu.memory_space<vmem>>, %arg12: memref<40x64xi32, #tpu.memory_space<vmem>>, %arg13: memref<!tpu.dma_semaphore, #tpu.memory_space<semaphore_mem>>, %arg14: memref<!tpu.dma_semaphore, #tpu.memory_space<semaphore_mem>>, %arg15: memref<!tpu.dma_semaphore, #tpu.memory_space<semaphore_mem>>, %arg16: memref<!tpu.dma_semaphore, #tpu.memory_space<semaphore_mem>>, %arg17: memref<!tpu.dma_semaphore, #tpu.memory_space<semaphore_mem>>, %arg18: memref<!tpu.dma_semaphore, #tpu.memory_space<semaphore_mem>>, %arg19: memref<!tpu.dma_semaphore, #tpu.memory_space<semaphore_mem>>, %arg20: memref<!tpu.dma_semaphore, #tpu.memory_space<semaphore_mem>>) attributes {dimension_semantics = [#tpu.dimension_semantics<core_parallel>, #tpu.dimension_semantics<subcore_parallel>], iteration_bounds = array<i64: 2, 16>, scalar_prefetch = 0 : i64, scratch_operands = 14 : i64, tpu.core_type = #tpu.core_type<sc_vector_subcore>, window_params = [{transform_indices = #map}, {transform_indices = #map}, {transform_indices = #map1}, {transform_indices = #map1}, {transform_indices = #map}]} {
    %mul3A = arith.constant 2 : i32
    %mul3A_0 = arith.muli %arg1, %mul3A : i32
    %add3A = arith.addi %mul3A_0, %arg0 : i32
    %mul3A_1 = arith.constant 5000 : i32
    %mul3A_2 = arith.muli %add3A, %mul3A_1 : i32
    "tpu.region"() ({
      %run_scoped3A = tpu.sem_alloc : memref<!tpu.dma_semaphore, #tpu.memory_space<semaphore_mem>>
      %dma_start3A_74 = tpu.memref_slice %arg4[%mul3A_2] : memref<160000xi32, #tpu.memory_space<hbm>> -> memref<5000xi32, #tpu.memory_space<hbm>>
      %dma_start3A_75 = tpu.memref_slice %arg4[%mul3A_2] : memref<160000xi32, #tpu.memory_space<hbm>> -> memref<5000xi32, #tpu.memory_space<hbm>>
      tpu.enqueue_dma source(%dma_start3A_75 : memref<5000xi32, #tpu.memory_space<hbm>>) target(%arg7 : memref<5000xi32, #tpu.memory_space<vmem>>) target_semaphore(%run_scoped3A : memref<!tpu.dma_semaphore, #tpu.memory_space<semaphore_mem>>)
      %dma_wait3A_76 = tpu.memref_slice %arg4[%mul3A_2] : memref<160000xi32, #tpu.memory_space<hbm>> -> memref<5000xi32, #tpu.memory_space<hbm>>
      %dma_wait3A_77 = tpu.memref_slice %arg4[%mul3A_2] : memref<160000xi32, #tpu.memory_space<hbm>> -> memref<5000xi32, #tpu.memory_space<hbm>>
      tpu.wait_dma2 semaphore(%run_scoped3A : memref<!tpu.dma_semaphore, #tpu.memory_space<semaphore_mem>>) src(%dma_wait3A_77 : memref<5000xi32, #tpu.memory_space<hbm>>) dst(%arg7 : memref<5000xi32, #tpu.memory_space<vmem>>)
      tpu.yield
    }) : () -> ()
    "tpu.region"() ({
      %run_scoped3A = tpu.sem_alloc : memref<!tpu.dma_semaphore, #tpu.memory_space<semaphore_mem>>
      %dma_start3A_74 = tpu.memref_slice %arg5[%mul3A_2] : memref<160000xi32, #tpu.memory_space<hbm>> -> memref<5000xi32, #tpu.memory_space<hbm>>
      %dma_start3A_75 = tpu.memref_slice %arg5[%mul3A_2] : memref<160000xi32, #tpu.memory_space<hbm>> -> memref<5000xi32, #tpu.memory_space<hbm>>
      tpu.enqueue_dma source(%dma_start3A_75 : memref<5000xi32, #tpu.memory_space<hbm>>) target(%arg8 : memref<5000xi32, #tpu.memory_space<vmem>>) target_semaphore(%run_scoped3A : memref<!tpu.dma_semaphore, #tpu.memory_space<semaphore_mem>>)
      %dma_wait3A_76 = tpu.memref_slice %arg5[%mul3A_2] : memref<160000xi32, #tpu.memory_space<hbm>> -> memref<5000xi32, #tpu.memory_space<hbm>>
      %dma_wait3A_77 = tpu.memref_slice %arg5[%mul3A_2] : memref<160000xi32, #tpu.memory_space<hbm>> -> memref<5000xi32, #tpu.memory_space<hbm>>
      tpu.wait_dma2 semaphore(%run_scoped3A : memref<!tpu.dma_semaphore, #tpu.memory_space<semaphore_mem>>) src(%dma_wait3A_77 : memref<5000xi32, #tpu.memory_space<hbm>>) dst(%arg8 : memref<5000xi32, #tpu.memory_space<vmem>>)
      tpu.yield
    }) : () -> ()
    %scan3A = arith.constant 0 : i32
    %scan3A_3 = arith.constant 0 : i32
    %scan3A_4 = arith.constant 62 : i32
    %scan3A_5 = arith.addi %scan3A_3, %scan3A_4 : i32
    %scan3A_6 = arith.constant 1 : i32
    scf.for %scan3A_74 = %scan3A_3 to %scan3A_5 step %scan3A_6  : i32 {
      %mul3A_75 = arith.constant 2 : i32
      %mul3A_76 = arith.muli %mul3A_75, %scan3A_74 : i32
      %mul3A_77 = arith.constant 2 : i32
      %mul3A_78 = arith.muli %mul3A_77, %scan3A_74 : i32
      %add3A_79 = arith.constant 1 : i32
      %add3A_80 = arith.addi %mul3A_78, %add3A_79 : i32
      %gt3A = arith.constant 0 : i32
      %gt3A_81 = arith.cmpi sgt, %scan3A_74, %gt3A : i32
      %convert_element_type3A = arith.extui %gt3A_81 : i1 to i32
      %cond3A = arith.constant 0 : i32
      %cond3A_82 = arith.cmpi ne, %convert_element_type3A, %cond3A : i32
      scf.if %cond3A_82 {
        %add3A_147 = arith.constant 0 : i32
        %add3A_148 = arith.addi %mul3A_2, %add3A_147 : i32
        %dma_wait3A_149 = arith.constant 0 : i32
        %dma_wait3A_150 = tpu.memref_slice %arg6[%add3A_148, %dma_wait3A_149] : memref<160000x128xi32, #tpu.memory_space<hbm>> -> memref<40x64xi32, #tpu.memory_space<hbm>>
        %dma_wait3A_151 = arith.constant 0 : i32
        %dma_wait3A_152 = tpu.memref_slice %arg6[%add3A_148, %dma_wait3A_151] : memref<160000x128xi32, #tpu.memory_space<hbm>> -> memref<40x64xi32, #tpu.memory_space<hbm>>
        tpu.wait_dma2 semaphore(%arg17 : memref<!tpu.dma_semaphore, #tpu.memory_space<semaphore_mem>>) src(%arg9 : memref<40x64xi32, #tpu.memory_space<vmem>>) dst(%dma_wait3A_152 : memref<40x64xi32, #tpu.memory_space<hbm>>)
        %add3A_153 = arith.constant 0 : i32
        %add3A_154 = arith.addi %mul3A_2, %add3A_153 : i32
        %dma_wait3A_155 = arith.constant 64 : i32
        %dma_wait3A_156 = tpu.memref_slice %arg6[%add3A_154, %dma_wait3A_155] : memref<160000x128xi32, #tpu.memory_space<hbm>> -> memref<40x64xi32, #tpu.memory_space<hbm>>
        %dma_wait3A_157 = arith.constant 64 : i32
        %dma_wait3A_158 = tpu.memref_slice %arg6[%add3A_154, %dma_wait3A_157] : memref<160000x128xi32, #tpu.memory_space<hbm>> -> memref<40x64xi32, #tpu.memory_space<hbm>>
        tpu.wait_dma2 semaphore(%arg18 : memref<!tpu.dma_semaphore, #tpu.memory_space<semaphore_mem>>) src(%arg10 : memref<40x64xi32, #tpu.memory_space<vmem>>) dst(%dma_wait3A_158 : memref<40x64xi32, #tpu.memory_space<hbm>>)
        %add3A_159 = arith.constant 0 : i32
        %add3A_160 = arith.addi %mul3A_2, %add3A_159 : i32
        %dma_wait3A_161 = arith.constant 0 : i32
        %dma_wait3A_162 = tpu.memref_slice %arg6[%add3A_160, %dma_wait3A_161] : memref<160000x128xi32, #tpu.memory_space<hbm>> -> memref<40x64xi32, #tpu.memory_space<hbm>>
        %dma_wait3A_163 = arith.constant 0 : i32
        %dma_wait3A_164 = tpu.memref_slice %arg6[%add3A_160, %dma_wait3A_163] : memref<160000x128xi32, #tpu.memory_space<hbm>> -> memref<40x64xi32, #tpu.memory_space<hbm>>
        tpu.wait_dma2 semaphore(%arg19 : memref<!tpu.dma_semaphore, #tpu.memory_space<semaphore_mem>>) src(%arg11 : memref<40x64xi32, #tpu.memory_space<vmem>>) dst(%dma_wait3A_164 : memref<40x64xi32, #tpu.memory_space<hbm>>)
        %add3A_165 = arith.constant 0 : i32
        %add3A_166 = arith.addi %mul3A_2, %add3A_165 : i32
        %dma_wait3A_167 = arith.constant 64 : i32
        %dma_wait3A_168 = tpu.memref_slice %arg6[%add3A_166, %dma_wait3A_167] : memref<160000x128xi32, #tpu.memory_space<hbm>> -> memref<40x64xi32, #tpu.memory_space<hbm>>
        %dma_wait3A_169 = arith.constant 64 : i32
        %dma_wait3A_170 = tpu.memref_slice %arg6[%add3A_166, %dma_wait3A_169] : memref<160000x128xi32, #tpu.memory_space<hbm>> -> memref<40x64xi32, #tpu.memory_space<hbm>>
        tpu.wait_dma2 semaphore(%arg20 : memref<!tpu.dma_semaphore, #tpu.memory_space<semaphore_mem>>) src(%arg12 : memref<40x64xi32, #tpu.memory_space<vmem>>) dst(%dma_wait3A_170 : memref<40x64xi32, #tpu.memory_space<hbm>>)
      } else {
      }
      %mul3A_83 = arith.constant 40 : i32
      %mul3A_84 = arith.muli %mul3A_76, %mul3A_83 : i32
      %dma_start3A_85 = tpu.memref_slice %arg7[%mul3A_84] : memref<5000xi32, #tpu.memory_space<vmem>> -> memref<40xi32, #tpu.memory_space<vmem>>
      %dma_start3A_86 = arith.constant 0 : i32
      %dma_start3A_87 = arith.constant 0 : i32
      %dma_start3A_88 = tpu.memref_slice %arg2[%dma_start3A_86, %dma_start3A_87] : memref<10000x64xi32, #tpu.memory_space<hbm>> -> memref<10000x64xi32, #tpu.memory_space<hbm>>
      tpu.enqueue_indirect_dma source(%dma_start3A_88 : memref<10000x64xi32, #tpu.memory_space<hbm>>) target(%arg9 : memref<40x64xi32, #tpu.memory_space<vmem>>) offsets(%dma_start3A_85 : memref<40xi32, #tpu.memory_space<vmem>>) semaphore(%arg13 : memref<!tpu.dma_semaphore, #tpu.memory_space<semaphore_mem>>)
      %dma_start3A_89 = tpu.memref_slice %arg8[%mul3A_84] : memref<5000xi32, #tpu.memory_space<vmem>> -> memref<40xi32, #tpu.memory_space<vmem>>
      %dma_start3A_90 = arith.constant 0 : i32
      %dma_start3A_91 = arith.constant 0 : i32
      %dma_start3A_92 = tpu.memref_slice %arg3[%dma_start3A_90, %dma_start3A_91] : memref<10000x64xi32, #tpu.memory_space<hbm>> -> memref<10000x64xi32, #tpu.memory_space<hbm>>
      tpu.enqueue_indirect_dma source(%dma_start3A_92 : memref<10000x64xi32, #tpu.memory_space<hbm>>) target(%arg10 : memref<40x64xi32, #tpu.memory_space<vmem>>) offsets(%dma_start3A_89 : memref<40xi32, #tpu.memory_space<vmem>>) semaphore(%arg14 : memref<!tpu.dma_semaphore, #tpu.memory_space<semaphore_mem>>)
      %mul3A_93 = arith.constant 40 : i32
      %mul3A_94 = arith.muli %add3A_80, %mul3A_93 : i32
      %dma_start3A_95 = tpu.memref_slice %arg7[%mul3A_94] : memref<5000xi32, #tpu.memory_space<vmem>> -> memref<40xi32, #tpu.memory_space<vmem>>
      %dma_start3A_96 = arith.constant 0 : i32
      %dma_start3A_97 = arith.constant 0 : i32
      %dma_start3A_98 = tpu.memref_slice %arg2[%dma_start3A_96, %dma_start3A_97] : memref<10000x64xi32, #tpu.memory_space<hbm>> -> memref<10000x64xi32, #tpu.memory_space<hbm>>
      tpu.enqueue_indirect_dma source(%dma_start3A_98 : memref<10000x64xi32, #tpu.memory_space<hbm>>) target(%arg11 : memref<40x64xi32, #tpu.memory_space<vmem>>) offsets(%dma_start3A_95 : memref<40xi32, #tpu.memory_space<vmem>>) semaphore(%arg15 : memref<!tpu.dma_semaphore, #tpu.memory_space<semaphore_mem>>)
      %dma_start3A_99 = tpu.memref_slice %arg8[%mul3A_94] : memref<5000xi32, #tpu.memory_space<vmem>> -> memref<40xi32, #tpu.memory_space<vmem>>
      %dma_start3A_100 = arith.constant 0 : i32
      %dma_start3A_101 = arith.constant 0 : i32
      %dma_start3A_102 = tpu.memref_slice %arg3[%dma_start3A_100, %dma_start3A_101] : memref<10000x64xi32, #tpu.memory_space<hbm>> -> memref<10000x64xi32, #tpu.memory_space<hbm>>
      tpu.enqueue_indirect_dma source(%dma_start3A_102 : memref<10000x64xi32, #tpu.memory_space<hbm>>) target(%arg12 : memref<40x64xi32, #tpu.memory_space<vmem>>) offsets(%dma_start3A_99 : memref<40xi32, #tpu.memory_space<vmem>>) semaphore(%arg16 : memref<!tpu.dma_semaphore, #tpu.memory_space<semaphore_mem>>)
      %dma_wait3A_103 = tpu.memref_slice %arg7[%mul3A_84] : memref<5000xi32, #tpu.memory_space<vmem>> -> memref<40xi32, #tpu.memory_space<vmem>>
      %dma_wait3A_104 = arith.constant 0 : i32
      %dma_wait3A_105 = arith.constant 0 : i32
      %dma_wait3A_106 = tpu.memref_slice %arg2[%dma_wait3A_104, %dma_wait3A_105] : memref<10000x64xi32, #tpu.memory_space<hbm>> -> memref<10000x64xi32, #tpu.memory_space<hbm>>
      tpu.wait_indirect_dma semaphore(%arg13 : memref<!tpu.dma_semaphore, #tpu.memory_space<semaphore_mem>>) src(%dma_wait3A_106 : memref<10000x64xi32, #tpu.memory_space<hbm>>) dst(%arg9 : memref<40x64xi32, #tpu.memory_space<vmem>>)
      %dma_wait3A_107 = tpu.memref_slice %arg8[%mul3A_84] : memref<5000xi32, #tpu.memory_space<vmem>> -> memref<40xi32, #tpu.memory_space<vmem>>
      %dma_wait3A_108 = arith.constant 0 : i32
      %dma_wait3A_109 = arith.constant 0 : i32
      %dma_wait3A_110 = tpu.memref_slice %arg3[%dma_wait3A_108, %dma_wait3A_109] : memref<10000x64xi32, #tpu.memory_space<hbm>> -> memref<10000x64xi32, #tpu.memory_space<hbm>>
      tpu.wait_indirect_dma semaphore(%arg14 : memref<!tpu.dma_semaphore, #tpu.memory_space<semaphore_mem>>) src(%dma_wait3A_110 : memref<10000x64xi32, #tpu.memory_space<hbm>>) dst(%arg10 : memref<40x64xi32, #tpu.memory_space<vmem>>)
      %mul3A_111 = arith.constant 40 : i32
      %mul3A_112 = arith.muli %mul3A_76, %mul3A_111 : i32
      %add3A_113 = arith.addi %mul3A_2, %mul3A_112 : i32
      %dma_start3A_114 = arith.constant 0 : i32
      %dma_start3A_115 = tpu.memref_slice %arg6[%add3A_113, %dma_start3A_114] : memref<160000x128xi32, #tpu.memory_space<hbm>> -> memref<40x64xi32, #tpu.memory_space<hbm>>
      %dma_start3A_116 = arith.constant 0 : i32
      %dma_start3A_117 = tpu.memref_slice %arg6[%add3A_113, %dma_start3A_116] : memref<160000x128xi32, #tpu.memory_space<hbm>> -> memref<40x64xi32, #tpu.memory_space<hbm>>
      tpu.enqueue_dma source(%arg9 : memref<40x64xi32, #tpu.memory_space<vmem>>) target(%dma_start3A_117 : memref<40x64xi32, #tpu.memory_space<hbm>>) target_semaphore(%arg17 : memref<!tpu.dma_semaphore, #tpu.memory_space<semaphore_mem>>)
      %mul3A_118 = arith.constant 40 : i32
      %mul3A_119 = arith.muli %mul3A_76, %mul3A_118 : i32
      %add3A_120 = arith.addi %mul3A_2, %mul3A_119 : i32
      %dma_start3A_121 = arith.constant 64 : i32
      %dma_start3A_122 = tpu.memref_slice %arg6[%add3A_120, %dma_start3A_121] : memref<160000x128xi32, #tpu.memory_space<hbm>> -> memref<40x64xi32, #tpu.memory_space<hbm>>
      %dma_start3A_123 = arith.constant 64 : i32
      %dma_start3A_124 = tpu.memref_slice %arg6[%add3A_120, %dma_start3A_123] : memref<160000x128xi32, #tpu.memory_space<hbm>> -> memref<40x64xi32, #tpu.memory_space<hbm>>
      tpu.enqueue_dma source(%arg10 : memref<40x64xi32, #tpu.memory_space<vmem>>) target(%dma_start3A_124 : memref<40x64xi32, #tpu.memory_space<hbm>>) target_semaphore(%arg18 : memref<!tpu.dma_semaphore, #tpu.memory_space<semaphore_mem>>)
      %dma_wait3A_125 = tpu.memref_slice %arg7[%mul3A_94] : memref<5000xi32, #tpu.memory_space<vmem>> -> memref<40xi32, #tpu.memory_space<vmem>>
      %dma_wait3A_126 = arith.constant 0 : i32
      %dma_wait3A_127 = arith.constant 0 : i32
      %dma_wait3A_128 = tpu.memref_slice %arg2[%dma_wait3A_126, %dma_wait3A_127] : memref<10000x64xi32, #tpu.memory_space<hbm>> -> memref<10000x64xi32, #tpu.memory_space<hbm>>
      tpu.wait_indirect_dma semaphore(%arg15 : memref<!tpu.dma_semaphore, #tpu.memory_space<semaphore_mem>>) src(%dma_wait3A_128 : memref<10000x64xi32, #tpu.memory_space<hbm>>) dst(%arg11 : memref<40x64xi32, #tpu.memory_space<vmem>>)
      %dma_wait3A_129 = tpu.memref_slice %arg8[%mul3A_94] : memref<5000xi32, #tpu.memory_space<vmem>> -> memref<40xi32, #tpu.memory_space<vmem>>
      %dma_wait3A_130 = arith.constant 0 : i32
      %dma_wait3A_131 = arith.constant 0 : i32
      %dma_wait3A_132 = tpu.memref_slice %arg3[%dma_wait3A_130, %dma_wait3A_131] : memref<10000x64xi32, #tpu.memory_space<hbm>> -> memref<10000x64xi32, #tpu.memory_space<hbm>>
      tpu.wait_indirect_dma semaphore(%arg16 : memref<!tpu.dma_semaphore, #tpu.memory_space<semaphore_mem>>) src(%dma_wait3A_132 : memref<10000x64xi32, #tpu.memory_space<hbm>>) dst(%arg12 : memref<40x64xi32, #tpu.memory_space<vmem>>)
      %mul3A_133 = arith.constant 40 : i32
      %mul3A_134 = arith.muli %add3A_80, %mul3A_133 : i32
      %add3A_135 = arith.addi %mul3A_2, %mul3A_134 : i32
      %dma_start3A_136 = arith.constant 0 : i32
      %dma_start3A_137 = tpu.memref_slice %arg6[%add3A_135, %dma_start3A_136] : memref<160000x128xi32, #tpu.memory_space<hbm>> -> memref<40x64xi32, #tpu.memory_space<hbm>>
      %dma_start3A_138 = arith.constant 0 : i32
      %dma_start3A_139 = tpu.memref_slice %arg6[%add3A_135, %dma_start3A_138] : memref<160000x128xi32, #tpu.memory_space<hbm>> -> memref<40x64xi32, #tpu.memory_space<hbm>>
      tpu.enqueue_dma source(%arg11 : memref<40x64xi32, #tpu.memory_space<vmem>>) target(%dma_start3A_139 : memref<40x64xi32, #tpu.memory_space<hbm>>) target_semaphore(%arg19 : memref<!tpu.dma_semaphore, #tpu.memory_space<semaphore_mem>>)
      %mul3A_140 = arith.constant 40 : i32
      %mul3A_141 = arith.muli %add3A_80, %mul3A_140 : i32
      %add3A_142 = arith.addi %mul3A_2, %mul3A_141 : i32
      %dma_start3A_143 = arith.constant 64 : i32
      %dma_start3A_144 = tpu.memref_slice %arg6[%add3A_142, %dma_start3A_143] : memref<160000x128xi32, #tpu.memory_space<hbm>> -> memref<40x64xi32, #tpu.memory_space<hbm>>
      %dma_start3A_145 = arith.constant 64 : i32
      %dma_start3A_146 = tpu.memref_slice %arg6[%add3A_142, %dma_start3A_145] : memref<160000x128xi32, #tpu.memory_space<hbm>> -> memref<40x64xi32, #tpu.memory_space<hbm>>
      tpu.enqueue_dma source(%arg12 : memref<40x64xi32, #tpu.memory_space<vmem>>) target(%dma_start3A_146 : memref<40x64xi32, #tpu.memory_space<hbm>>) target_semaphore(%arg20 : memref<!tpu.dma_semaphore, #tpu.memory_space<semaphore_mem>>)
    }
    %scan3A_7 = arith.constant 62 : i32
    %add3A_8 = arith.constant 0 : i32
    %add3A_9 = arith.addi %mul3A_2, %add3A_8 : i32
    %dma_wait3A = arith.constant 0 : i32
    %dma_wait3A_10 = tpu.memref_slice %arg6[%add3A_9, %dma_wait3A] : memref<160000x128xi32, #tpu.memory_space<hbm>> -> memref<40x64xi32, #tpu.memory_space<hbm>>
    %dma_wait3A_11 = arith.constant 0 : i32
    %dma_wait3A_12 = tpu.memref_slice %arg6[%add3A_9, %dma_wait3A_11] : memref<160000x128xi32, #tpu.memory_space<hbm>> -> memref<40x64xi32, #tpu.memory_space<hbm>>
    tpu.wait_dma2 semaphore(%arg17 : memref<!tpu.dma_semaphore, #tpu.memory_space<semaphore_mem>>) src(%arg9 : memref<40x64xi32, #tpu.memory_space<vmem>>) dst(%dma_wait3A_12 : memref<40x64xi32, #tpu.memory_space<hbm>>)
    %add3A_13 = arith.constant 0 : i32
    %add3A_14 = arith.addi %mul3A_2, %add3A_13 : i32
    %dma_wait3A_15 = arith.constant 64 : i32
    %dma_wait3A_16 = tpu.memref_slice %arg6[%add3A_14, %dma_wait3A_15] : memref<160000x128xi32, #tpu.memory_space<hbm>> -> memref<40x64xi32, #tpu.memory_space<hbm>>
    %dma_wait3A_17 = arith.constant 64 : i32
    %dma_wait3A_18 = tpu.memref_slice %arg6[%add3A_14, %dma_wait3A_17] : memref<160000x128xi32, #tpu.memory_space<hbm>> -> memref<40x64xi32, #tpu.memory_space<hbm>>
    tpu.wait_dma2 semaphore(%arg18 : memref<!tpu.dma_semaphore, #tpu.memory_space<semaphore_mem>>) src(%arg10 : memref<40x64xi32, #tpu.memory_space<vmem>>) dst(%dma_wait3A_18 : memref<40x64xi32, #tpu.memory_space<hbm>>)
    %dma_start3A = arith.constant 4960 : i32
    %dma_start3A_19 = tpu.memref_slice %arg7[%dma_start3A] : memref<5000xi32, #tpu.memory_space<vmem>> -> memref<40xi32, #tpu.memory_space<vmem>>
    %dma_start3A_20 = arith.constant 0 : i32
    %dma_start3A_21 = arith.constant 0 : i32
    %dma_start3A_22 = tpu.memref_slice %arg2[%dma_start3A_20, %dma_start3A_21] : memref<10000x64xi32, #tpu.memory_space<hbm>> -> memref<10000x64xi32, #tpu.memory_space<hbm>>
    tpu.enqueue_indirect_dma source(%dma_start3A_22 : memref<10000x64xi32, #tpu.memory_space<hbm>>) target(%arg9 : memref<40x64xi32, #tpu.memory_space<vmem>>) offsets(%dma_start3A_19 : memref<40xi32, #tpu.memory_space<vmem>>) semaphore(%arg13 : memref<!tpu.dma_semaphore, #tpu.memory_space<semaphore_mem>>)
    %dma_start3A_23 = arith.constant 4960 : i32
    %dma_start3A_24 = tpu.memref_slice %arg8[%dma_start3A_23] : memref<5000xi32, #tpu.memory_space<vmem>> -> memref<40xi32, #tpu.memory_space<vmem>>
    %dma_start3A_25 = arith.constant 0 : i32
    %dma_start3A_26 = arith.constant 0 : i32
    %dma_start3A_27 = tpu.memref_slice %arg3[%dma_start3A_25, %dma_start3A_26] : memref<10000x64xi32, #tpu.memory_space<hbm>> -> memref<10000x64xi32, #tpu.memory_space<hbm>>
    tpu.enqueue_indirect_dma source(%dma_start3A_27 : memref<10000x64xi32, #tpu.memory_space<hbm>>) target(%arg10 : memref<40x64xi32, #tpu.memory_space<vmem>>) offsets(%dma_start3A_24 : memref<40xi32, #tpu.memory_space<vmem>>) semaphore(%arg14 : memref<!tpu.dma_semaphore, #tpu.memory_space<semaphore_mem>>)
    %dma_wait3A_28 = arith.constant 4960 : i32
    %dma_wait3A_29 = tpu.memref_slice %arg7[%dma_wait3A_28] : memref<5000xi32, #tpu.memory_space<vmem>> -> memref<40xi32, #tpu.memory_space<vmem>>
    %dma_wait3A_30 = arith.constant 0 : i32
    %dma_wait3A_31 = arith.constant 0 : i32
    %dma_wait3A_32 = tpu.memref_slice %arg2[%dma_wait3A_30, %dma_wait3A_31] : memref<10000x64xi32, #tpu.memory_space<hbm>> -> memref<10000x64xi32, #tpu.memory_space<hbm>>
    tpu.wait_indirect_dma semaphore(%arg13 : memref<!tpu.dma_semaphore, #tpu.memory_space<semaphore_mem>>) src(%dma_wait3A_32 : memref<10000x64xi32, #tpu.memory_space<hbm>>) dst(%arg9 : memref<40x64xi32, #tpu.memory_space<vmem>>)
    %dma_wait3A_33 = arith.constant 4960 : i32
    %dma_wait3A_34 = tpu.memref_slice %arg8[%dma_wait3A_33] : memref<5000xi32, #tpu.memory_space<vmem>> -> memref<40xi32, #tpu.memory_space<vmem>>
    %dma_wait3A_35 = arith.constant 0 : i32
    %dma_wait3A_36 = arith.constant 0 : i32
    %dma_wait3A_37 = tpu.memref_slice %arg3[%dma_wait3A_35, %dma_wait3A_36] : memref<10000x64xi32, #tpu.memory_space<hbm>> -> memref<10000x64xi32, #tpu.memory_space<hbm>>
    tpu.wait_indirect_dma semaphore(%arg14 : memref<!tpu.dma_semaphore, #tpu.memory_space<semaphore_mem>>) src(%dma_wait3A_37 : memref<10000x64xi32, #tpu.memory_space<hbm>>) dst(%arg10 : memref<40x64xi32, #tpu.memory_space<vmem>>)
    %add3A_38 = arith.constant 4960 : i32
    %add3A_39 = arith.addi %mul3A_2, %add3A_38 : i32
    %dma_start3A_40 = arith.constant 0 : i32
    %dma_start3A_41 = tpu.memref_slice %arg6[%add3A_39, %dma_start3A_40] : memref<160000x128xi32, #tpu.memory_space<hbm>> -> memref<40x64xi32, #tpu.memory_space<hbm>>
    %dma_start3A_42 = arith.constant 0 : i32
    %dma_start3A_43 = tpu.memref_slice %arg6[%add3A_39, %dma_start3A_42] : memref<160000x128xi32, #tpu.memory_space<hbm>> -> memref<40x64xi32, #tpu.memory_space<hbm>>
    tpu.enqueue_dma source(%arg9 : memref<40x64xi32, #tpu.memory_space<vmem>>) target(%dma_start3A_43 : memref<40x64xi32, #tpu.memory_space<hbm>>) target_semaphore(%arg17 : memref<!tpu.dma_semaphore, #tpu.memory_space<semaphore_mem>>)
    %add3A_44 = arith.constant 4960 : i32
    %add3A_45 = arith.addi %mul3A_2, %add3A_44 : i32
    %dma_start3A_46 = arith.constant 64 : i32
    %dma_start3A_47 = tpu.memref_slice %arg6[%add3A_45, %dma_start3A_46] : memref<160000x128xi32, #tpu.memory_space<hbm>> -> memref<40x64xi32, #tpu.memory_space<hbm>>
    %dma_start3A_48 = arith.constant 64 : i32
    %dma_start3A_49 = tpu.memref_slice %arg6[%add3A_45, %dma_start3A_48] : memref<160000x128xi32, #tpu.memory_space<hbm>> -> memref<40x64xi32, #tpu.memory_space<hbm>>
    tpu.enqueue_dma source(%arg10 : memref<40x64xi32, #tpu.memory_space<vmem>>) target(%dma_start3A_49 : memref<40x64xi32, #tpu.memory_space<hbm>>) target_semaphore(%arg18 : memref<!tpu.dma_semaphore, #tpu.memory_space<semaphore_mem>>)
    %add3A_50 = arith.constant 0 : i32
    %add3A_51 = arith.addi %mul3A_2, %add3A_50 : i32
    %dma_wait3A_52 = arith.constant 0 : i32
    %dma_wait3A_53 = tpu.memref_slice %arg6[%add3A_51, %dma_wait3A_52] : memref<160000x128xi32, #tpu.memory_space<hbm>> -> memref<40x64xi32, #tpu.memory_space<hbm>>
    %dma_wait3A_54 = arith.constant 0 : i32
    %dma_wait3A_55 = tpu.memref_slice %arg6[%add3A_51, %dma_wait3A_54] : memref<160000x128xi32, #tpu.memory_space<hbm>> -> memref<40x64xi32, #tpu.memory_space<hbm>>
    tpu.wait_dma2 semaphore(%arg19 : memref<!tpu.dma_semaphore, #tpu.memory_space<semaphore_mem>>) src(%arg11 : memref<40x64xi32, #tpu.memory_space<vmem>>) dst(%dma_wait3A_55 : memref<40x64xi32, #tpu.memory_space<hbm>>)
    %add3A_56 = arith.constant 0 : i32
    %add3A_57 = arith.addi %mul3A_2, %add3A_56 : i32
    %dma_wait3A_58 = arith.constant 64 : i32
    %dma_wait3A_59 = tpu.memref_slice %arg6[%add3A_57, %dma_wait3A_58] : memref<160000x128xi32, #tpu.memory_space<hbm>> -> memref<40x64xi32, #tpu.memory_space<hbm>>
    %dma_wait3A_60 = arith.constant 64 : i32
    %dma_wait3A_61 = tpu.memref_slice %arg6[%add3A_57, %dma_wait3A_60] : memref<160000x128xi32, #tpu.memory_space<hbm>> -> memref<40x64xi32, #tpu.memory_space<hbm>>
    tpu.wait_dma2 semaphore(%arg20 : memref<!tpu.dma_semaphore, #tpu.memory_space<semaphore_mem>>) src(%arg12 : memref<40x64xi32, #tpu.memory_space<vmem>>) dst(%dma_wait3A_61 : memref<40x64xi32, #tpu.memory_space<hbm>>)
    %add3A_62 = arith.constant 0 : i32
    %add3A_63 = arith.addi %mul3A_2, %add3A_62 : i32
    %dma_wait3A_64 = arith.constant 0 : i32
    %dma_wait3A_65 = tpu.memref_slice %arg6[%add3A_63, %dma_wait3A_64] : memref<160000x128xi32, #tpu.memory_space<hbm>> -> memref<40x64xi32, #tpu.memory_space<hbm>>
    %dma_wait3A_66 = arith.constant 0 : i32
    %dma_wait3A_67 = tpu.memref_slice %arg6[%add3A_63, %dma_wait3A_66] : memref<160000x128xi32, #tpu.memory_space<hbm>> -> memref<40x64xi32, #tpu.memory_space<hbm>>
    tpu.wait_dma2 semaphore(%arg17 : memref<!tpu.dma_semaphore, #tpu.memory_space<semaphore_mem>>) src(%arg9 : memref<40x64xi32, #tpu.memory_space<vmem>>) dst(%dma_wait3A_67 : memref<40x64xi32, #tpu.memory_space<hbm>>)
    %add3A_68 = arith.constant 0 : i32
    %add3A_69 = arith.addi %mul3A_2, %add3A_68 : i32
    %dma_wait3A_70 = arith.constant 64 : i32
    %dma_wait3A_71 = tpu.memref_slice %arg6[%add3A_69, %dma_wait3A_70] : memref<160000x128xi32, #tpu.memory_space<hbm>> -> memref<40x64xi32, #tpu.memory_space<hbm>>
    %dma_wait3A_72 = arith.constant 64 : i32
    %dma_wait3A_73 = tpu.memref_slice %arg6[%add3A_69, %dma_wait3A_72] : memref<160000x128xi32, #tpu.memory_space<hbm>> -> memref<40x64xi32, #tpu.memory_space<hbm>>
    tpu.wait_dma2 semaphore(%arg18 : memref<!tpu.dma_semaphore, #tpu.memory_space<semaphore_mem>>) src(%arg10 : memref<40x64xi32, #tpu.memory_space<vmem>>) dst(%dma_wait3A_73 : memref<40x64xi32, #tpu.memory_space<hbm>>)
    return
  }
}

module attributes {stable_mosaic.version = 14 : i64} {
  func.func @_pre_body(%arg0: i32, %arg1: memref<2000x128xf32, #tpu.memory_space<vmem>>, %arg2: memref<128x128xf32, #tpu.memory_space<vmem>>, %arg3: memref<128x128xf32, #tpu.memory_space<vmem>>, %arg4: memref<2000x64xi32, #tpu.memory_space<vmem>>, %arg5: memref<2000x64xi32, #tpu.memory_space<vmem>>) attributes {dimension_semantics = [#tpu.dimension_semantics<arbitrary>], iteration_bounds = array<i64: 5>, scalar_prefetch = 0 : i64, scratch_operands = 0 : i64, tpu.core_type = #tpu.core_type<tc>, window_params = [{transform_indices = @transform_0, window_bounds = array<i64: 2000, 128>}, {pipeline_mode = #tpu.pipeline_mode<synchronous>, transform_indices = @transform_1, window_bounds = array<i64: 128, 128>}, {pipeline_mode = #tpu.pipeline_mode<synchronous>, transform_indices = @transform_2, window_bounds = array<i64: 128, 128>}, {transform_indices = @transform_3, window_bounds = array<i64: 2000, 64>}, {transform_indices = @transform_4, window_bounds = array<i64: 2000, 64>}]} {
    %get3A = arith.constant 0 : index
    %get3A_0 = arith.constant 0 : index
    %get3A_1 = vector.load %arg1[%get3A, %get3A_0] : memref<2000x128xf32, #tpu.memory_space<vmem>>, vector<2000x128xf32>
    %get3A_2 = arith.constant 0 : index
    %get3A_3 = arith.constant 0 : index
    %get3A_4 = vector.load %arg2[%get3A_2, %get3A_3] : memref<128x128xf32, #tpu.memory_space<vmem>>, vector<128x128xf32>
    %dot_general3A = arith.constant dense<0.000000e+00> : vector<2000x128xf32>
    %dot_general3A_5 = tpu.matmul %get3A_1, %get3A_4, %dot_general3A {dimension_numbers = #tpu.dot_dimension_numbers<[1], [0], [0], [1], [0, 0, 1, 1], [], []>, transpose_lhs_hint = false} : vector<2000x128xf32>, vector<128x128xf32>, vector<2000x128xf32> -> vector<2000x128xf32>
    %slice3A = vector.extract_strided_slice %dot_general3A_5 {offsets = [0, 0], sizes = [2000, 64], strides = [1, 1]} : vector<2000x128xf32> to vector<2000x64xf32>
    %bitcast_convert_type3A = tpu.bitcast %slice3A : vector<2000x64xf32> -> vector<2000x64xi32>
    %shift_right_logical3A = arith.constant 16 : i32
    %shift_right_logical3A_6 = vector.broadcast %shift_right_logical3A : i32 to vector<2000x64xi32>
    %shift_right_logical3A_7 = arith.shrui %bitcast_convert_type3A, %shift_right_logical3A_6 : vector<2000x64xi32>
    %and3A = arith.constant 1 : i32
    %and3A_8 = vector.broadcast %and3A : i32 to vector<2000x64xi32>
    %and3A_9 = arith.andi %shift_right_logical3A_7, %and3A_8 : vector<2000x64xi32>
    %add3A = arith.constant 32767 : i32
    %add3A_10 = vector.broadcast %add3A : i32 to vector<2000x64xi32>
    %add3A_11 = arith.addi %bitcast_convert_type3A, %add3A_10 : vector<2000x64xi32>
    %add3A_12 = arith.addi %add3A_11, %and3A_9 : vector<2000x64xi32>
    %shift_right_logical3A_13 = arith.constant 16 : i32
    %shift_right_logical3A_14 = vector.broadcast %shift_right_logical3A_13 : i32 to vector<2000x64xi32>
    %shift_right_logical3A_15 = arith.shrui %add3A_12, %shift_right_logical3A_14 : vector<2000x64xi32>
    %slice3A_16 = vector.extract_strided_slice %dot_general3A_5 {offsets = [0, 64], sizes = [2000, 64], strides = [1, 1]} : vector<2000x128xf32> to vector<2000x64xf32>
    %bitcast_convert_type3A_17 = tpu.bitcast %slice3A_16 : vector<2000x64xf32> -> vector<2000x64xi32>
    %shift_right_logical3A_18 = arith.constant 16 : i32
    %shift_right_logical3A_19 = vector.broadcast %shift_right_logical3A_18 : i32 to vector<2000x64xi32>
    %shift_right_logical3A_20 = arith.shrui %bitcast_convert_type3A_17, %shift_right_logical3A_19 : vector<2000x64xi32>
    %and3A_21 = arith.constant 1 : i32
    %and3A_22 = vector.broadcast %and3A_21 : i32 to vector<2000x64xi32>
    %and3A_23 = arith.andi %shift_right_logical3A_20, %and3A_22 : vector<2000x64xi32>
    %add3A_24 = arith.constant 32767 : i32
    %add3A_25 = vector.broadcast %add3A_24 : i32 to vector<2000x64xi32>
    %add3A_26 = arith.addi %bitcast_convert_type3A_17, %add3A_25 : vector<2000x64xi32>
    %add3A_27 = arith.addi %add3A_26, %and3A_23 : vector<2000x64xi32>
    %and3A_28 = arith.constant -65536 : i32
    %and3A_29 = vector.broadcast %and3A_28 : i32 to vector<2000x64xi32>
    %and3A_30 = arith.andi %add3A_27, %and3A_29 : vector<2000x64xi32>
    %or3A = arith.ori %and3A_30, %shift_right_logical3A_15 : vector<2000x64xi32>
    %swap3A = arith.constant 0 : index
    %swap3A_31 = arith.constant 0 : index
    %swap3A_32 = vector.load %arg4[%swap3A, %swap3A_31] : memref<2000x64xi32, #tpu.memory_space<vmem>>, vector<2000x64xi32>
    tpu.vector_store %arg4[%swap3A, %swap3A_31], %or3A {strides = array<i32>} : memref<2000x64xi32, #tpu.memory_space<vmem>>, vector<2000x64xi32>,
    %get3A_33 = arith.constant 0 : index
    %get3A_34 = arith.constant 0 : index
    %get3A_35 = vector.load %arg3[%get3A_33, %get3A_34] : memref<128x128xf32, #tpu.memory_space<vmem>>, vector<128x128xf32>
    %dot_general3A_36 = arith.constant dense<0.000000e+00> : vector<2000x128xf32>
    %dot_general3A_37 = tpu.matmul %get3A_1, %get3A_35, %dot_general3A_36 {dimension_numbers = #tpu.dot_dimension_numbers<[1], [0], [0], [1], [0, 0, 1, 1], [], []>, transpose_lhs_hint = false} : vector<2000x128xf32>, vector<128x128xf32>, vector<2000x128xf32> -> vector<2000x128xf32>
    %slice3A_38 = vector.extract_strided_slice %dot_general3A_37 {offsets = [0, 0], sizes = [2000, 64], strides = [1, 1]} : vector<2000x128xf32> to vector<2000x64xf32>
    %bitcast_convert_type3A_39 = tpu.bitcast %slice3A_38 : vector<2000x64xf32> -> vector<2000x64xi32>
    %shift_right_logical3A_40 = arith.constant 16 : i32
    %shift_right_logical3A_41 = vector.broadcast %shift_right_logical3A_40 : i32 to vector<2000x64xi32>
    %shift_right_logical3A_42 = arith.shrui %bitcast_convert_type3A_39, %shift_right_logical3A_41 : vector<2000x64xi32>
    %and3A_43 = arith.constant 1 : i32
    %and3A_44 = vector.broadcast %and3A_43 : i32 to vector<2000x64xi32>
    %and3A_45 = arith.andi %shift_right_logical3A_42, %and3A_44 : vector<2000x64xi32>
    %add3A_46 = arith.constant 32767 : i32
    %add3A_47 = vector.broadcast %add3A_46 : i32 to vector<2000x64xi32>
    %add3A_48 = arith.addi %bitcast_convert_type3A_39, %add3A_47 : vector<2000x64xi32>
    %add3A_49 = arith.addi %add3A_48, %and3A_45 : vector<2000x64xi32>
    %shift_right_logical3A_50 = arith.constant 16 : i32
    %shift_right_logical3A_51 = vector.broadcast %shift_right_logical3A_50 : i32 to vector<2000x64xi32>
    %shift_right_logical3A_52 = arith.shrui %add3A_49, %shift_right_logical3A_51 : vector<2000x64xi32>
    %slice3A_53 = vector.extract_strided_slice %dot_general3A_37 {offsets = [0, 64], sizes = [2000, 64], strides = [1, 1]} : vector<2000x128xf32> to vector<2000x64xf32>
    %bitcast_convert_type3A_54 = tpu.bitcast %slice3A_53 : vector<2000x64xf32> -> vector<2000x64xi32>
    %shift_right_logical3A_55 = arith.constant 16 : i32
    %shift_right_logical3A_56 = vector.broadcast %shift_right_logical3A_55 : i32 to vector<2000x64xi32>
    %shift_right_logical3A_57 = arith.shrui %bitcast_convert_type3A_54, %shift_right_logical3A_56 : vector<2000x64xi32>
    %and3A_58 = arith.constant 1 : i32
    %and3A_59 = vector.broadcast %and3A_58 : i32 to vector<2000x64xi32>
    %and3A_60 = arith.andi %shift_right_logical3A_57, %and3A_59 : vector<2000x64xi32>
    %add3A_61 = arith.constant 32767 : i32
    %add3A_62 = vector.broadcast %add3A_61 : i32 to vector<2000x64xi32>
    %add3A_63 = arith.addi %bitcast_convert_type3A_54, %add3A_62 : vector<2000x64xi32>
    %add3A_64 = arith.addi %add3A_63, %and3A_60 : vector<2000x64xi32>
    %and3A_65 = arith.constant -65536 : i32
    %and3A_66 = vector.broadcast %and3A_65 : i32 to vector<2000x64xi32>
    %and3A_67 = arith.andi %add3A_64, %and3A_66 : vector<2000x64xi32>
    %or3A_68 = arith.ori %and3A_67, %shift_right_logical3A_52 : vector<2000x64xi32>
    %swap3A_69 = arith.constant 0 : index
    %swap3A_70 = arith.constant 0 : index
    %swap3A_71 = vector.load %arg5[%swap3A_69, %swap3A_70] : memref<2000x64xi32, #tpu.memory_space<vmem>>, vector<2000x64xi32>
    tpu.vector_store %arg5[%swap3A_69, %swap3A_70], %or3A_68 {strides = array<i32>} : memref<2000x64xi32, #tpu.memory_space<vmem>>, vector<2000x64xi32>,
    return
  }
  func.func @transform_0(%arg0: i32) -> (i32, i32) {
    %c0_i32 = arith.constant 0 : i32
    %c0_i32_0 = arith.constant 0 : i32
    return %arg0, %c0_i32 : i32, i32
  }
  func.func @transform_1(%arg0: i32) -> (i32, i32) {
    %c0_i32 = arith.constant 0 : i32
    %c0_i32_0 = arith.constant 0 : i32
    %c0_i32_1 = arith.constant 0 : i32
    return %c0_i32, %c0_i32_0 : i32, i32
  }
  func.func @transform_2(%arg0: i32) -> (i32, i32) {
    %c0_i32 = arith.constant 0 : i32
    %c0_i32_0 = arith.constant 0 : i32
    %c0_i32_1 = arith.constant 0 : i32
    return %c0_i32, %c0_i32_0 : i32, i32
  }
  func.func @transform_3(%arg0: i32) -> (i32, i32) {
    %c0_i32 = arith.constant 0 : i32
    %c0_i32_0 = arith.constant 0 : i32
    return %arg0, %c0_i32 : i32, i32
  }
  func.func @transform_4(%arg0: i32) -> (i32, i32) {
    %c0_i32 = arith.constant 0 : i32
    %c0_i32_0 = arith.constant 0 : i32
    return %arg0, %c0_i32 : i32, i32
  }
}

module attributes {stable_mosaic.version = 14 : i64} {
  func.func @_mlp_body(%arg0: i32, %arg1: memref<1280x128xi32, #tpu.memory_space<vmem>>, %arg2: memref<1280x4xf32, #tpu.memory_space<vmem>>, %arg3: memref<3x1280xf32, #tpu.memory_space<vmem>>, %arg4: memref<4x128xf32, #tpu.memory_space<vmem>>, %arg5: memref<1x128xf32, #tpu.memory_space<vmem>>, %arg6: memref<128x128xbf16, #tpu.memory_space<vmem>>, %arg7: memref<1x128xf32, #tpu.memory_space<vmem>>, %arg8: memref<1x128xf32, #tpu.memory_space<vmem>>, %arg9: memref<1x1280xf32, #tpu.memory_space<vmem>>, %arg10: memref<1x1280xf32, #tpu.memory_space<vmem>>, %arg11: memref<1x1280xf32, #tpu.memory_space<vmem>>) attributes {dimension_semantics = [#tpu.dimension_semantics<arbitrary>], iteration_bounds = array<i64: 125>, scalar_prefetch = 0 : i64, scratch_operands = 0 : i64, tpu.core_type = #tpu.core_type<tc>, window_params = [{transform_indices = @transform_0, window_bounds = array<i64: 1280, 128>}, {transform_indices = @transform_1, window_bounds = array<i64: 1280, 4>}, {transform_indices = @transform_2, window_bounds = array<i64: 3, 1280>}, {pipeline_mode = #tpu.pipeline_mode<synchronous>, transform_indices = @transform_3, window_bounds = array<i64: 4, 128>}, {pipeline_mode = #tpu.pipeline_mode<synchronous>, transform_indices = @transform_4, window_bounds = array<i64: 1, 128>}, {pipeline_mode = #tpu.pipeline_mode<synchronous>, transform_indices = @transform_5, window_bounds = array<i64: 128, 128>}, {pipeline_mode = #tpu.pipeline_mode<synchronous>, transform_indices = @transform_6, window_bounds = array<i64: 1, 128>}, {pipeline_mode = #tpu.pipeline_mode<synchronous>, transform_indices = @transform_7, window_bounds = array<i64: 1, 128>}, {transform_indices = @transform_8, window_bounds = array<i64: 1, 1280>}, {transform_indices = @transform_9, window_bounds = array<i64: 1, 1280>}, {transform_indices = @transform_10, window_bounds = array<i64: 1, 1280>}]} {
    %get3A = arith.constant 0 : index
    %get3A_0 = arith.constant 0 : index
    %get3A_1 = vector.load %arg1[%get3A, %get3A_0] : memref<1280x128xi32, #tpu.memory_space<vmem>>, vector<1280x64xi32>
    %shift_left3A = arith.constant 16 : i32
    %shift_left3A_2 = vector.broadcast %shift_left3A : i32 to vector<1280x64xi32>
    %shift_left3A_3 = arith.shli %get3A_1, %shift_left3A_2 : vector<1280x64xi32>
    %bitcast_convert_type3A = tpu.bitcast %shift_left3A_3 : vector<1280x64xi32> -> vector<1280x64xf32>
    %and3A = arith.constant -65536 : i32
    %and3A_4 = vector.broadcast %and3A : i32 to vector<1280x64xi32>
    %and3A_5 = arith.andi %get3A_1, %and3A_4 : vector<1280x64xi32>
    %bitcast_convert_type3A_6 = tpu.bitcast %and3A_5 : vector<1280x64xi32> -> vector<1280x64xf32>
    %concatenate3A = tpu.concatenate %bitcast_convert_type3A, %bitcast_convert_type3A_6 in 1 : vector<1280x64xf32>, vector<1280x64xf32> -> vector<1280x128xf32>
    %get3A_7 = arith.constant 0 : index
    %get3A_8 = arith.constant 64 : index
    %get3A_9 = vector.load %arg1[%get3A_7, %get3A_8] : memref<1280x128xi32, #tpu.memory_space<vmem>>, vector<1280x64xi32>
    %shift_left3A_10 = arith.constant 16 : i32
    %shift_left3A_11 = vector.broadcast %shift_left3A_10 : i32 to vector<1280x64xi32>
    %shift_left3A_12 = arith.shli %get3A_9, %shift_left3A_11 : vector<1280x64xi32>
    %bitcast_convert_type3A_13 = tpu.bitcast %shift_left3A_12 : vector<1280x64xi32> -> vector<1280x64xf32>
    %and3A_14 = arith.constant -65536 : i32
    %and3A_15 = vector.broadcast %and3A_14 : i32 to vector<1280x64xi32>
    %and3A_16 = arith.andi %get3A_9, %and3A_15 : vector<1280x64xi32>
    %bitcast_convert_type3A_17 = tpu.bitcast %and3A_16 : vector<1280x64xi32> -> vector<1280x64xf32>
    %concatenate3A_18 = tpu.concatenate %bitcast_convert_type3A_13, %bitcast_convert_type3A_17 in 1 : vector<1280x64xf32>, vector<1280x64xf32> -> vector<1280x128xf32>
    %add3A = arith.addf %concatenate3A, %concatenate3A_18 : vector<1280x128xf32>
    %get3A_19 = arith.constant 0 : index
    %get3A_20 = arith.constant 0 : index
    %get3A_21 = vector.load %arg5[%get3A_19, %get3A_20] : memref<1x128xf32, #tpu.memory_space<vmem>>, vector<1x128xf32>
    %add3A_22 = vector.broadcast %get3A_21 : vector<1x128xf32> to vector<1280x128xf32>
    %add3A_23 = arith.addf %add3A, %add3A_22 : vector<1280x128xf32>
    %get3A_24 = arith.constant 0 : index
    %get3A_25 = arith.constant 0 : index
    %get3A_26 = vector.load %arg2[%get3A_24, %get3A_25] : memref<1280x4xf32, #tpu.memory_space<vmem>>, vector<1280x4xf32>
    %get3A_27 = arith.constant 0 : index
    %get3A_28 = arith.constant 0 : index
    %get3A_29 = vector.load %arg4[%get3A_27, %get3A_28] : memref<4x128xf32, #tpu.memory_space<vmem>>, vector<4x128xf32>
    %dot_general3A = arith.constant dense<0.000000e+00> : vector<1280x128xf32>
    %dot_general3A_30 = tpu.matmul %get3A_26, %get3A_29, %dot_general3A {dimension_numbers = #tpu.dot_dimension_numbers<[1], [0], [0], [1], [0, 0, 1, 1], [], []>, transpose_lhs_hint = false} : vector<1280x4xf32>, vector<4x128xf32>, vector<1280x128xf32> -> vector<1280x128xf32>
    %add3A_31 = arith.addf %add3A_23, %dot_general3A_30 : vector<1280x128xf32>
    %logistic3A = arith.negf %add3A_31 : vector<1280x128xf32>
    %logistic3A_32 = math.exp %logistic3A : vector<1280x128xf32>
    %logistic3A_33 = arith.constant 1.000000e+00 : f32
    %logistic3A_34 = vector.broadcast %logistic3A_33 : f32 to vector<1280x128xf32>
    %logistic3A_35 = arith.addf %logistic3A_34, %logistic3A_32 : vector<1280x128xf32>
    %logistic3A_36 = arith.divf %logistic3A_34, %logistic3A_35 : vector<1280x128xf32>
    %mul3A = arith.mulf %add3A_31, %logistic3A_36 : vector<1280x128xf32>
    %convert_element_type3A = arith.truncf %mul3A : vector<1280x128xf32> to vector<1280x128xbf16>
    %get3A_37 = arith.constant 0 : index
    %get3A_38 = arith.constant 0 : index
    %get3A_39 = vector.load %arg6[%get3A_37, %get3A_38] : memref<128x128xbf16, #tpu.memory_space<vmem>>, vector<128x128xbf16>
    %dot_general3A_40 = arith.constant dense<0.000000e+00> : vector<1280x128xf32>
    %dot_general3A_41 = tpu.matmul %convert_element_type3A, %get3A_39, %dot_general3A_40 {dimension_numbers = #tpu.dot_dimension_numbers<[1], [0], [0], [1], [0, 0, 1, 1], [], []>, transpose_lhs_hint = false} : vector<1280x128xbf16>, vector<128x128xbf16>, vector<1280x128xf32> -> vector<1280x128xf32>
    %get3A_42 = arith.constant 0 : index
    %get3A_43 = arith.constant 0 : index
    %get3A_44 = vector.load %arg7[%get3A_42, %get3A_43] : memref<1x128xf32, #tpu.memory_space<vmem>>, vector<1x128xf32>
    %add3A_45 = vector.broadcast %get3A_44 : vector<1x128xf32> to vector<1280x128xf32>
    %add3A_46 = arith.addf %dot_general3A_41, %add3A_45 : vector<1280x128xf32>
    %logistic3A_47 = arith.negf %add3A_46 : vector<1280x128xf32>
    %logistic3A_48 = math.exp %logistic3A_47 : vector<1280x128xf32>
    %logistic3A_49 = arith.constant 1.000000e+00 : f32
    %logistic3A_50 = vector.broadcast %logistic3A_49 : f32 to vector<1280x128xf32>
    %logistic3A_51 = arith.addf %logistic3A_50, %logistic3A_48 : vector<1280x128xf32>
    %logistic3A_52 = arith.divf %logistic3A_50, %logistic3A_51 : vector<1280x128xf32>
    %mul3A_53 = arith.mulf %add3A_46, %logistic3A_52 : vector<1280x128xf32>
    %get3A_54 = arith.constant 0 : index
    %get3A_55 = arith.constant 0 : index
    %get3A_56 = vector.load %arg8[%get3A_54, %get3A_55] : memref<1x128xf32, #tpu.memory_space<vmem>>, vector<1x128xf32>
    %dot_general3A_57 = arith.constant dense<0.000000e+00> : vector<1x1280xf32>
    %dot_general3A_58 = tpu.matmul %get3A_56, %mul3A_53, %dot_general3A_57 {dimension_numbers = #tpu.dot_dimension_numbers<[1], [1], [0], [0], [0, 0, 1, 0], [], []>, transpose_lhs_hint = false} : vector<1x128xf32>, vector<1280x128xf32>, vector<1x1280xf32> -> vector<1x1280xf32>
    %get3A_59 = arith.constant 0 : index
    %get3A_60 = arith.constant 0 : index
    %get3A_61 = vector.load %arg3[%get3A_59, %get3A_60] : memref<3x1280xf32, #tpu.memory_space<vmem>>, vector<3x1280xf32>
    %slice3A = vector.extract_strided_slice %get3A_61 {offsets = [0, 0], sizes = [1, 1280], strides = [1, 1]} : vector<3x1280xf32> to vector<1x1280xf32>
    %mul3A_62 = arith.mulf %slice3A, %dot_general3A_58 : vector<1x1280xf32>
    %swap3A = arith.constant 0 : index
    %swap3A_63 = arith.constant 0 : index
    %swap3A_64 = vector.load %arg9[%swap3A, %swap3A_63] : memref<1x1280xf32, #tpu.memory_space<vmem>>, vector<1x1280xf32>
    tpu.vector_store %arg9[%swap3A, %swap3A_63], %mul3A_62 {strides = array<i32>} : memref<1x1280xf32, #tpu.memory_space<vmem>>, vector<1x1280xf32>,
    %slice3A_65 = vector.extract_strided_slice %get3A_61 {offsets = [1, 0], sizes = [1, 1280], strides = [1, 1]} : vector<3x1280xf32> to vector<1x1280xf32>
    %mul3A_66 = arith.mulf %slice3A_65, %dot_general3A_58 : vector<1x1280xf32>
    %swap3A_67 = arith.constant 0 : index
    %swap3A_68 = arith.constant 0 : index
    %swap3A_69 = vector.load %arg10[%swap3A_67, %swap3A_68] : memref<1x1280xf32, #tpu.memory_space<vmem>>, vector<1x1280xf32>
    tpu.vector_store %arg10[%swap3A_67, %swap3A_68], %mul3A_66 {strides = array<i32>} : memref<1x1280xf32, #tpu.memory_space<vmem>>, vector<1x1280xf32>,
    %slice3A_70 = vector.extract_strided_slice %get3A_61 {offsets = [2, 0], sizes = [1, 1280], strides = [1, 1]} : vector<3x1280xf32> to vector<1x1280xf32>
    %mul3A_71 = arith.mulf %slice3A_70, %dot_general3A_58 : vector<1x1280xf32>
    %swap3A_72 = arith.constant 0 : index
    %swap3A_73 = arith.constant 0 : index
    %swap3A_74 = vector.load %arg11[%swap3A_72, %swap3A_73] : memref<1x1280xf32, #tpu.memory_space<vmem>>, vector<1x1280xf32>
    tpu.vector_store %arg11[%swap3A_72, %swap3A_73], %mul3A_71 {strides = array<i32>} : memref<1x1280xf32, #tpu.memory_space<vmem>>, vector<1x1280xf32>,
    return
  }
  func.func @transform_0(%arg0: i32) -> (i32, i32) {
    %c0_i32 = arith.constant 0 : i32
    %c0_i32_0 = arith.constant 0 : i32
    return %arg0, %c0_i32 : i32, i32
  }
  func.func @transform_1(%arg0: i32) -> (i32, i32) {
    %c0_i32 = arith.constant 0 : i32
    %c0_i32_0 = arith.constant 0 : i32
    return %arg0, %c0_i32 : i32, i32
  }
  func.func @transform_2(%arg0: i32) -> (i32, i32) {
    %c0_i32 = arith.constant 0 : i32
    %c0_i32_0 = arith.constant 0 : i32
    return %c0_i32, %arg0 : i32, i32
  }
  func.func @transform_3(%arg0: i32) -> (i32, i32) {
    %c0_i32 = arith.constant 0 : i32
    %c0_i32_0 = arith.constant 0 : i32
    %c0_i32_1 = arith.constant 0 : i32
    return %c0_i32, %c0_i32_0 : i32, i32
  }
  func.func @transform_4(%arg0: i32) -> (i32, i32) {
    %c0_i32 = arith.constant 0 : i32
    %c0_i32_0 = arith.constant 0 : i32
    %c0_i32_1 = arith.constant 0 : i32
    return %c0_i32, %c0_i32_0 : i32, i32
  }
  func.func @transform_5(%arg0: i32) -> (i32, i32) {
    %c0_i32 = arith.constant 0 : i32
    %c0_i32_0 = arith.constant 0 : i32
    %c0_i32_1 = arith.constant 0 : i32
    return %c0_i32, %c0_i32_0 : i32, i32
  }
  func.func @transform_6(%arg0: i32) -> (i32, i32) {
    %c0_i32 = arith.constant 0 : i32
    %c0_i32_0 = arith.constant 0 : i32
    %c0_i32_1 = arith.constant 0 : i32
    return %c0_i32, %c0_i32_0 : i32, i32
  }
  func.func @transform_7(%arg0: i32) -> (i32, i32) {
    %c0_i32 = arith.constant 0 : i32
    %c0_i32_0 = arith.constant 0 : i32
    %c0_i32_1 = arith.constant 0 : i32
    return %c0_i32, %c0_i32_0 : i32, i32
  }
  func.func @transform_8(%arg0: i32) -> (i32, i32) {
    %c0_i32 = arith.constant 0 : i32
    %c0_i32_0 = arith.constant 0 : i32
    return %c0_i32, %arg0 : i32, i32
  }
  func.func @transform_9(%arg0: i32) -> (i32, i32) {
    %c0_i32 = arith.constant 0 : i32
    %c0_i32_0 = arith.constant 0 : i32
    return %c0_i32, %arg0 : i32, i32
  }
  func.func @transform_10(%arg0: i32) -> (i32, i32) {
    %c0_i32 = arith.constant 0 : i32
    %c0_i32_0 = arith.constant 0 : i32
    return %c0_i32, %arg0 : i32, i32
  }
}

</mosaic_0001>

<sc_bundles>
// kernel: kernel.11.cloned.1.call-start
scs
__scs_entry_jumppad:
0x0: {  	(pc) =	sbr.rel $0x88, $3  }
0x1: {  	(tag) =	ssettag $0x0;
	lr =	simm.s32 $0x1  }
0x2: {  	[smem:$0x3F97] =	sst lr;
	_ =	strace $0xD0000000  }
0x3: {  	_ = 	snop  }
0x4: {  	_ = 	snop  }
0x5: {  	_ = 	snop  }
0x6: {  	_ = 	snop  }
0x7: {  	_ = 	snop  }
__scs_overlays_trampoline_lowered:
0x8: {  	[smem:$0x3FA6] =	sst s0  }
0x9: {  	[smem:$0x3FA7] =	sst s1  }
0xa: {  	[smem:$0x3FA8] =	sst s2  }
0xb: {  	[smem:$0x3FA9] =	sst s3  }
0xc: {  	[smem:$0x3FAA] =	sst s4  }
0xd: {  	[smem:$0x3FAB] =	sst s5  }
0xe: {  	[smem:$0x3FAC] =	sst s6  }
0xf: {  	[smem:$0x3FAD] =	sst s7  }
0x10: {  	[smem:$0x3FAE] =	sst s8  }
0x11: {  	[smem:$0x3FAF] =	sst s9;
	s0 =	simm.s32 @!p0 $0x0  }
0x12: {  	s1 =	sld [smem:$0x3F95];
	s0 =	simm.s32 @p0 $0x1  }
0x13: {  	[smem:$0x3FB0] =	sst s0;
	s0 =	simm.s32 @!p1 $0x0  }
0x14: {  	s2 =	sld [smem:$0x3F94];
	s0 =	simm.s32 @p1 $0x1  }
0x15: {  	[smem:$0x3FB1] =	sst s0;
	s0 =	simm.s32 @!p2 $0x0  }
0x16: {  	s3 =	sld [smem:$0x3FDB];
	s0 =	simm.s32 @p2 $0x1  }
0x17: {  	s4 =	simm.s32 $0x1BF5;
	[smem:$0x3FB3] =	sst s0  }
0x18: {  	s0 =	sld [smem:$0x3F96];
	_ =	swait.ge [sflag:s4], $0x0  }
0x19: {  	s7 =	sld [smem:$0x3F97]  }
0x1a: {  	s8 =	sadd.s32 $0xFFFFE003, lr  }
0x1b: {  	s9 =	sadd.s32 $0xFFFFFEF7, lr;
	s5 =	simm.s32 $0xFFFFFFFF;
	p2 =	slt.u32 s8, $0xFFFFF086  }
0x1c: {  	p1 =	slt.u32 s9, $0xF7A;
	s5 =	simm.s32 @!p2 $0x0  }
0x1d: {  	s5 =	simm.s32 @p1 $0x1;
	p0 =	seq.s32 s7, s2  }
0x1e: {  	s7 =	smul.u32 @!p0 $0xF7A, s2;
	p2 =	seq.s32 @!p0 s5, $0x0  }
0x1f: {  	s9 =	smul.u32 $0xF7A, s1;
	s8 =	simm.s32 @!p0 $0x1BF5;
	p2 =	por !p2, p0  }
0x20: {  	[sflag:s8] =	ssyncset.s32 @!p0 $0xFFFFF086;
	s6 =	sadd.s32 @!p0 s3, s7;
	s7 =	simm.s32 @!p0 $0x108  }
0x21: {  	s3 =	sadd.s32 s3, s9;
	s6 =	sadd.s32 @!p0 $0x88, s6;
	s7 =	simm.s32 @p2 $0x1082  }
0x22: {  	[simem:s7], [sflag:s8] =	dma.local @!p0 [hbm:s6], $0xF7A  }
0x23: {  	s9 =	sor.u32 $0xD0000000, s2;
	s6 =	simm.s32 $0x108;
	_ =	swait.ge @!p0 [sflag:s8], $0x0  }
0x24: {  	s3 =	sadd.s32 $0x88, s3;
	s6 =	simm.s32 @!p1 $0x1082;
	[sflag:s4] =	ssyncset.s32 $0xFFFFF086  }
0x25: {  	[simem:s6], [sflag:s4] =	dma.local [hbm:s3], $0xF7A  }
0x26: {  	[smem:$0x3F97] =	sst s1;
	(tag) =	ssettag s2;
	_ =	strace s9  }
0x27: {  	s1 =	sld [smem:$0x3FA7]  }
0x28: {  	s2 =	sld [smem:$0x3FA8]  }
0x29: {  	s4 =	sld [smem:$0x3FAA]  }
0x2a: {  	p0 =	seq.s32 s5, $0x0;
	s5 =	sld [smem:$0x3FAB]  }
0x2b: {  	s6 =	sld [smem:$0x3FAC]  }
0x2c: {  	s7 =	sld [smem:$0x3FAD]  }
0x2d: {  	s3 =	simm.s32 $0x108;
	s8 =	sld [smem:$0x3FAE]  }
0x2e: {  	s3 =	simm.s32 @!p0 $0x1082;
	s9 =	sld [smem:$0x3FAF]  }
0x2f: {  	lr =	sadd.s32 s0, s3;
	s0 =	sld [smem:$0x3FA6]  }
0x30: {  	s3 =	sld [smem:$0x3FA9]  }
0x31: {  	[smem:$0x3FB2] =	sst s10  }
0x32: {  	s10 =	sld [smem:$0x3FB0];
	_ =	sdelay $0x3  }
0x33: {  	p0 =	seq.s32 s10, $0x1;
	s10 =	sld [smem:$0x3FB2];
	_ =	sdelay $0x3  }
0x34: {  	[smem:$0x3FB2] =	sst s10  }
0x35: {  	s10 =	sld [smem:$0x3FB1];
	_ =	sdelay $0x3  }
0x36: {  	p1 =	seq.s32 s10, $0x1;
	s10 =	sld [smem:$0x3FB2];
	_ =	sdelay $0x3  }
0x37: {  	[smem:$0x3FB2] =	sst s10  }
0x38: {  	s10 =	sld [smem:$0x3FB3]  }
0x39: {  	_ = 	snop;
	(pc) =	sbr.ind lr, $3  }
0x3a: {  	_ = 	snop  }
0x3b: {  	_ = 	snop  }
0x3c: {  	p2 =	seq.s32 s10, $0x1;
	s10 =	sld [smem:$0x3FB2]  }
0x3d: {  	_ =	shalt  }
0x3e: {  	_ =	shalt  }
0x3f: {  	_ =	shalt  }
0x40: {  	_ =	shalt  }
0x41: {  	_ =	shalt  }
0x42: {  	_ =	shalt  }
0x43: {  	_ =	shalt  }
0x44: {  	_ =	shalt  }
0x45: {  	_ =	shalt  }
0x46: {  	_ =	shalt  }
0x47: {  	_ =	shalt  }
0x48: {  	_ =	shalt  }
0x49: {  	_ =	shalt  }
0x4a: {  	_ =	shalt  }
0x4b: {  	_ =	shalt  }
0x4c: {  	_ =	shalt  }
0x4d: {  	_ =	shalt  }
0x4e: {  	_ =	shalt  }
0x4f: {  	_ =	shalt  }
0x50: {  	_ =	shalt  }
0x51: {  	_ =	shalt  }
0x52: {  	_ =	shalt  }
0x53: {  	_ =	shalt  }
0x54: {  	_ =	shalt  }
0x55: {  	_ =	shalt  }
0x56: {  	_ =	shalt  }
0x57: {  	_ =	shalt  }
0x58: {  	_ =	shalt  }
0x59: {  	_ =	shalt  }
0x5a: {  	_ =	shalt  }
0x5b: {  	_ =	shalt  }
0x5c: {  	_ =	shalt  }
0x5d: {  	_ =	shalt  }
0x5e: {  	_ =	shalt  }
0x5f: {  	_ =	shalt  }
0x60: {  	_ =	shalt  }
0x61: {  	_ =	shalt  }
0x62: {  	_ =	shalt  }
0x63: {  	_ =	shalt  }
0x64: {  	_ =	shalt  }
0x65: {  	_ =	shalt  }
0x66: {  	_ =	shalt  }
0x67: {  	_ =	shalt  }
0x68: {  	_ =	shalt  }
0x69: {  	_ =	shalt  }
0x6a: {  	_ =	shalt  }
0x6b: {  	_ =	shalt  }
0x6c: {  	_ =	shalt  }
0x6d: {  	_ =	shalt  }
0x6e: {  	_ =	shalt  }
0x6f: {  	_ =	shalt  }
0x70: {  	_ =	shalt  }
0x71: {  	_ =	shalt  }
0x72: {  	_ =	shalt  }
0x73: {  	_ =	shalt  }
0x74: {  	_ =	shalt  }
0x75: {  	_ =	shalt  }
0x76: {  	_ =	shalt  }
0x77: {  	_ =	shalt  }
0x78: {  	_ =	shalt  }
0x79: {  	_ =	shalt  }
0x7a: {  	_ =	shalt  }
0x7b: {  	_ =	shalt  }
0x7c: {  	_ =	shalt  }
0x7d: {  	_ =	shalt  }
0x7e: {  	_ =	shalt  }
0x7f: {  	_ =	shalt  }
0x80: {  	_ =	shalt  }
0x81: {  	_ =	shalt  }
0x82: {  	_ =	shalt  }
0x83: {  	_ =	shalt  }
0x84: {  	_ =	shalt  }
0x85: {  	_ =	shalt  }
0x86: {  	_ =	shalt  }
0x87: {  	_ =	shalt  }
.Lfunc_end0:
.L_simem_size_0:
called_computation.1_lowered:
.L_overlay_start_0:
0x88: {  	s2 =	sld [smem:$0x3FD9]  }
0x89: {  	s3 =	sld [smem:$0x3FFE];
	_ =	sdelay $0x1  }
0x8a: {  	s1 =	srdreg.scid  }
0x8b: {  	s0 =	sand.u32 $0x1, s1  }
0x8c: {  	s17 =	sshll.u32 s0, $0xA;
	s2 =	sadd.s32 s3, s2  }
0x8d: {  	s2 =	sadd.s32 s2, s17  }
0x8e: {  	[smem:$0x3FBE] =	sst s2  }
0x8f: {  	_ = 	snop  }
0x90: {  	(tm) =	ssettm $0x1  }
0x91: {  	s18 =	sld [smem:$0x3FFB];
	_ =	sdelay $0x3  }
0x92: {  	_ =	strace s18  }
0x93: {  	s2 =	sld [smem:$0x3FFC];
	_ =	sdelay $0x3  }
0x94: {  	_ =	strace s2  }
0x95: {  	s2 =	sld [smem:$0x3FFD];
	_ =	sdelay $0x3  }
0x96: {  	_ =	strace s2  }
0x97: {  	_ =	strace $0x8FFFFFFF  }
0x98: {  	s19 =	sld [smem:$0x3FDB];
	_ =	sdelay $0x1  }
0x99: {  	s20 =	simm.s32 $_scs_section_size  }
0x9a: {  	s4 =	simm.s32 $_size__tile_overlayer_lowered;
	s5 =	simm.s32 $_tile_overlayer_lowered  }
0x9b: {  	s6 =	simm.s32 $0x1BFF;
	s21 =	sshll.u32 s5, $0x1;
	s3 =	sadd.s32 s20, s19  }
0x9c: {  	s22 =	simm.s32 $0x0;
	s4 =	sshll.u32 s4, $0x1;
	s5 =	sadd.s32 s21, s3  }
0x9d: {  	[timem:s22], [sflag:s6] =	dma.local [hbm:s5], s4  }
0x9e: {  	_ =	swait.ge [sflag:s6], s4  }
0x9f: {  	s4 =	ssub.s32 $0x0, s4;
	[sflag:s6] =	ssyncset.done $0x0  }
0xa0: {  	[sflag:s6] =	ssyncadd.s32 s4;
	_ =	sdelay $0x1  }
0xa1: {  	s23 =	simm.s32 $0x1B8B  }
0xa2: {  	_ =	swait.ge [sflag:s23], $0x1  }
0xa3: {  	[sflag:s23] =	ssyncset.done $0x0  }
0xa4: {  	[sflag:s23] =	ssyncadd.s32 $0xFFFFFFFF  }
0xa5: {  	s4 =	sld [smem:$0x0]  }
0xa6: {  	s5 =	sand.u32 $0xFFFFFFFE, s1  }
0xa7: {  	p0 =	sne.s32 s1, s5  }
0xa8: {  	s5 =	sshll.u32 @p0 s5, $0xE  }
0xa9: {  	s5 =	sadd.s32 @p0 $0x11B8D, s5;
	s6 =	sshll.u32 @p0 s4, $0x11  }
0xaa: {  	s5 =	sor.u32 @p0 s6, s5  }
0xab: {  	[sflag:s5] =	ssyncadd.remote.s32 @p0 $0x1;
	_ =	sdelay $0x1  }
0xac: {  	s5 =	simm.s32 @p0 $0x1B8D  }
0xad: {  	_ =	swait.eq @p0 [sflag:s5], $0x1  }
0xae: {  	[sflag:s5] =	ssyncadd.s32 @p0 $0xFFFFFFFF  }
0xaf: {  	s6 =	sshll.u32 @!p0 s1, $0xE  }
0xb0: {  	s6 =	sor.u32 @!p0 $0x4000, s6;
	s5 =	simm.s32 @!p0 $0x1B8D  }
0xb1: {  	s4 =	sshll.u32 @!p0 s4, $0x11;
	s6 =	sadd.s32 @!p0 $0x11B8D, s6;
	_ =	swait.eq @!p0 [sflag:s5], $0x1  }
0xb2: {  	s4 =	sor.u32 @!p0 s4, s6;
	[sflag:s5] =	ssyncadd.s32 @!p0 $0xFFFFFFFF  }
0xb3: {  	s25 =	simm.s32 $0x1B8E;
	s24 =	sld [smem:$0x3FFE];
	[sflag:s4] =	ssyncadd.remote.s32 @!p0 $0x1  }
0xb4: {  	s26 =	simm.s32 $execute0_lowered;
	[smem:$0x3FD2] =	sst s25  }
0xb5: {  	s5 =	sshll.u32 s26, $0x1;
	_ =	strace $0x80000049;
	[dreg:$0x1] =	wrdreg $0xFFFFFFFF  }
0xb6: {  	s28 =	simm.s32 $_size_execute0_lowered;
	s3 =	sadd.s32 s3, s5;
	[dreg:$0x0] =	wrdreg $0x0  }
0xb7: {  	s5 =	sshll.u32 s28, $0x1;
	[dreg:$0x2] =	wrdreg s3  }
0xb8: {  	[dreg:$0x3] =	wrdreg s5  }
0xb9: {  	[dreg:$0x4] =	wrdreg $0xC0  }
0xba: {  	_ =	task [dreg:s22], $0x5FFFF  }
0xbb: {  	[dreg:$0x1] =	wrdreg $0xFFFFFFFF  }
0xbc: {  	[dreg:$0x0] =	wrdreg $0x60  }
0xbd: {  	[dreg:$0x2] =	wrdreg s24  }
0xbe: {  	[dreg:$0x3] =	wrdreg $0xA  }
0xbf: {  	_ =	task.clear_ibuf [dreg:s22], $0x4FFFF;
	_ =	strace $0x90000049  }
0xc0: {  	s29 =	simm.s32 $0xA;
	_ =	strace $0x8000004B  }
0xc1: {  	_ =	swait.ge [sflag:s29], $0x1  }
0xc2: {  	[sflag:s29] =	ssyncadd.s32 $0xFFFFFFFF  }
0xc3: {  	_ =	strace $0x9000004B  }
0xc4: {  	_ =	sfence  }
0xc5: {  	s30 =	sld [smem:$0x0];
	_ =	sdelay $0x2  }
0xc6: {  	s31 =	sshll.u32 s1, $0xD;
	s1 =	sshrl.u32 s1, $0x2  }
0xc7: {  	s4 =	sand.u32 $0x4000, s31;
	s1 =	sadd.s32 s1, s30  }
0xc8: {  	s0 =	sor.u32 s4, s0;
	s1 =	sshll.u32 s1, $0x11  }
0xc9: {  	s0 =	sor.u32 s1, s0  }
0xca: {  	s0 =	sadd.s32 $0x8F2B, s0  }
0xcb: {  	[sflag:s0] =	ssyncadd.remote.s32 $0x1  }
0xcc: {  	_ =	sfence.sel $0xFFFF  }
0xcd: {  	[dreg:$0x0] =	wrdreg $0xFFFFFFFF;
	(pc) =	sbr.abs _section_cstart, $3  }
0xce: {  	[dreg:$0x1] =	wrdreg $0xFFFFFFFF  }
0xcf: {  	_ =	task.clear_ibuf [dreg:s22], $0x2FFFF;
	_ =	strace $0x9FFFFFFF  }
0xd0: {  	(tm) =	ssettm $0x7FFFFFFF  }
0xd1: {  	_ =	shalt  }
tec
execute0_lowered:
.L_overlay_start_1:
0x0: {  	(tag) =	ssettag $0x1  }
0x1: {  	s0 =	srdreg.scid  }
0x2: {  	s10 =	stileid.u32;
	s1 =	rddreg [dreg:$0x0];
	s2 =	simm.s32 $0x0  }
0x3: {  	s15 =	simm.s32 $0x9;
	s16 =	simm.s32 $0x1388;
	s17 =	simm.s32 $0x28  }
0x4: {  	s18 =	simm.s32 $0x2710;
	s19 =	simm.s32 $0x3110;
	s20 =	simm.s32 $0x3B10  }
0x5: {  	s28 =	simm.s32 $0x3;
	s29 =	simm.s32 $0x4;
	s30 =	simm.s32 $0x5  }
0x6: {  	s31 =	simm.s32 $0x6;
	s21 =	simm.s32 $0x0;
	s0 =	sand.u32 $0x1, s0  }
0x7: {  	s3 =	sshll.u32 s10, $0x1;
	[smem:$0x7FF] =	sst s2;
	s11 =	smul.u32 $0x27100, s10  }
0x8: {  	s5 =	sor.u32 s0, s3;
	s7 =	ssub.s32 $0x2, s0;
	s0 =	smul.u32 $0x13880, s0  }
0x9: {  	s4 =	sadd.s32 $0x14000, s1;
	s12 =	sadd.s32 $0x2B6800, s1;
	s6 =	smul.u32 $0x1388, s5  }
0xa: {  	_ =	strace $0x8000004A;
	s3 =	sadd.s32 $0x600, s1;
	s9 =	smul.u32 $0x9C400, s5  }
0xb: {  	s8 =	sshrl.u32 s7, $0x1;
	s5 =	smul.u32 $0x13880, s5;
	s26 =	sadd.s32 s11, s12  }
0xc: {  	s7 =	ssub.s32 s7, s8;
	s0 =	sadd.s32 s0, s26;
	s26 =	simm.s32 $0x80  }
0xd: {  	s6 =	sshrl.u32 s6, $0x3;
	s23 =	sshrl.u32 s9, $0x3;
	s25 =	smax.u32 s7, $0x1  }
0xe: {  	s10 =	sadd.s32 s12, s5;
	s7 =	sadd.s32 $0x788, s0;
	s0 =	simm.s32 $0x8  }
0xf: {  	s6 =	sadd.s32 s6, s1;
	s1 =	sadd.s32 $0x2B6808, s1;
	[dreg:$0x6] =	wrdreg s25  }
0x10: {  	s25 =	simm.s32 $0x40;
	s22 =	sadd.s32 $0x2AC800, s6;
	s6 =	sadd.s32 $0x2B1800, s6  }
0x11: {  	s11 =	sadd.s32 s5, s1;
	s5 =	sadd.s32 $0x280, s5;
	[dreg:$0x2] =	wrdreg s22  }
0x12: {  	[dreg:$0x3] =	wrdreg s6;
	s6 =	sadd.s32 s12, s23;
	s12 =	sadd.s32 s12, s5  }
0x13: {  	s13 =	sadd.s32 s5, s1;
	s22 =	simm.s32 $0x4510;
	s24 =	sadd.s32 $0x13600, s6  }
0x14: {  	s23 =	simm.s32 $0x1;
	s6 =	sadd.s32 $0x13608, s6;
	[dreg:$0x4] =	wrdreg s24  }
0x15: {  	s1 =	simm.s32 $0x7;
	[dreg:$0x5] =	wrdreg s6;
	s24 =	simm.s32 $0x2  }
.LBB2_1:
0x16: {  	s5 =	rddreg [dreg:$0x2]  }
0x17: {  	[tilespmem:s2], [sflag:$0x9] =	stream.linear.gather [hbm4b:s5+s2], $0x1388, $0x38;
	[tilespmem:$0x4F10] =	vst v63  }
0x18: {  	_ =	swait.ge [sflag:s15], $0x1388  }
0x19: {  	[sflag:s15] =	ssyncset.done $0x0  }
0x1a: {  	s14 =	rddreg [dreg:$0x3];
	[sflag:s15] =	ssyncadd.s32 $0xFFFFEC78  }
0x1b: {  	[tilespmem:s16], [sflag:$0x9] =	stream.linear.gather [hbm4b:s14+s2], $0x1388, $0x38;
	[tilespmem:$0x4F10] =	vst v63  }
0x1c: {  	_ =	swait.ge [sflag:s15], $0x1388  }
0x1d: {  	[sflag:s15] =	ssyncset.done $0x0  }
0x1e: {  	[sflag:s15] =	ssyncadd.s32 $0xFFFFEC78  }
0x1f: {  	[tilespmem:s18], [sflag:$0x1] =	stream.indirect.gather [hbm4b:s3+s17], $0x40, s2, s17, $0xb8;
	[tilespmem:$0x4F10] =	vst v63  }
0x20: {  	_ = 	snop  }
0x21: {  	[tilespmem:s19], [sflag:$0x2] =	stream.indirect.gather [hbm4b:s4+s17], $0x40, s16, s17, $0xb8;
	[tilespmem:$0x4F10] =	vst v63  }
0x22: {  	_ = 	snop  }
0x23: {  	[tilespmem:s20], [sflag:$0x3] =	stream.indirect.gather [hbm4b:s3+s17], $0x40, s17, s17, $0xb8;
	[tilespmem:$0x4F10] =	vst v63  }
0x24: {  	s6 =	simm.s32 $0x13B0  }
0x25: {  	[tilespmem:s22], [sflag:$0x4] =	stream.indirect.gather [hbm4b:s4+s17], $0x40, s6, s17, $0xb8;
	[tilespmem:$0x4F10] =	vst v63  }
0x26: {  	_ =	swait.ge [sflag:s23], $0xA00  }
0x27: {  	[sflag:s23] =	ssyncset.done $0x0  }
0x28: {  	[sflag:s23] =	ssyncadd.s32 $0xFFFFF600  }
0x29: {  	_ =	swait.ge [sflag:s24], $0xA00  }
0x2a: {  	[sflag:s24] =	ssyncset.done $0x0  }
0x2b: {  	[sflag:s24] =	ssyncadd.s32 $0xFFFFF600  }
0x2c: {  	[hbm4b:s10+s25] =	stream.strided.scatter [tilespmem:s18], [sflag:$0x5], $0xA00, s26, s25, $0x38;
	[tilespmem:$0x4F10] =	vst v63  }
0x2d: {  	_ = 	snop  }
0x2e: {  	[hbm4b:s11+s25] =	stream.strided.scatter [tilespmem:s19], [sflag:$0x6], $0xA00, s26, s25, $0x38;
	[tilespmem:$0x4F10] =	vst v63  }
0x2f: {  	_ =	swait.ge [sflag:s28], $0xA00  }
0x30: {  	[sflag:s28] =	ssyncset.done $0x0  }
0x31: {  	[sflag:s28] =	ssyncadd.s32 $0xFFFFF600  }
0x32: {  	_ =	swait.ge [sflag:s29], $0xA00  }
0x33: {  	[sflag:s29] =	ssyncset.done $0x0  }
0x34: {  	[sflag:s29] =	ssyncadd.s32 $0xFFFFF600  }
0x35: {  	[hbm4b:s12+s25] =	stream.strided.scatter [tilespmem:s20], [sflag:$0x7], $0xA00, s26, s25, $0x38;
	[tilespmem:$0x4F10] =	vst v63  }
0x36: {  	_ = 	snop  }
0x37: {  	[hbm4b:s13+s25] =	stream.strided.scatter [tilespmem:s22], [sflag:$0x8], $0xA00, s26, s25, $0x38;
	[tilespmem:$0x4F10] =	vst v63  }
0x38: {  	_ =	swait.ge [sflag:s30], $0xA00  }
0x39: {  	[sflag:s30] =	ssyncset.done $0x0  }
0x3a: {  	[sflag:s30] =	ssyncadd.s32 $0xFFFFF600  }
0x3b: {  	_ =	swait.ge [sflag:s31], $0xA00  }
0x3c: {  	[sflag:s31] =	ssyncset.done $0x0  }
0x3d: {  	[sflag:s31] =	ssyncadd.s32 $0xFFFFF600  }
0x3e: {  	_ =	swait.ge [sflag:s1], $0xA00  }
0x3f: {  	[sflag:s1] =	ssyncset.done $0x0  }
0x40: {  	[sflag:s1] =	ssyncadd.s32 $0xFFFFF600  }
0x41: {  	_ =	swait.ge [sflag:s0], $0xA00  }
0x42: {  	[sflag:s0] =	ssyncset.done $0x0  }
0x43: {  	s8 =	simm.s32 $0x50;
	[sflag:s0] =	ssyncadd.s32 $0xFFFFF600  }
0x44: {  	[tilespmem:s18], [sflag:$0x1] =	stream.indirect.gather [hbm4b:s3+s17], $0x40, s8, s17, $0xb8;
	[tilespmem:$0x4F10] =	vst v63  }
0x45: {  	s9 =	simm.s32 $0x13D8  }
0x46: {  	[tilespmem:s19], [sflag:$0x2] =	stream.indirect.gather [hbm4b:s4+s17], $0x40, s9, s17, $0xb8;
	[tilespmem:$0x4F10] =	vst v63  }
0x47: {  	s14 =	simm.s32 $0x78  }
0x48: {  	[tilespmem:s20], [sflag:$0x3] =	stream.indirect.gather [hbm4b:s3+s17], $0x40, s14, s17, $0xb8;
	[tilespmem:$0x4F10] =	vst v63  }
0x49: {  	s6 =	simm.s32 $0x1400  }
0x4a: {  	[tilespmem:s22], [sflag:$0x4] =	stream.indirect.gather [hbm4b:s4+s17], $0x40, s6, s17, $0xb8;
	[tilespmem:$0x4F10] =	vst v63  }
0x4b: {  	_ =	swait.ge [sflag:s23], $0xA00  }
0x4c: {  	[sflag:s23] =	ssyncset.done $0x0  }
0x4d: {  	[sflag:s23] =	ssyncadd.s32 $0xFFFFF600  }
0x4e: {  	_ =	swait.ge [sflag:s24], $0xA00  }
0x4f: {  	[sflag:s24] =	ssyncset.done $0x0  }
0x50: {  	s8 =	sadd.s32 $0xFFFFFD78, s7;
	[sflag:s24] =	ssyncadd.s32 $0xFFFFF600  }
0x51: {  	[hbm4b:s8+s25] =	stream.strided.scatter [tilespmem:s18], [sflag:$0x5], $0xA00, s26, s25, $0x38;
	[tilespmem:$0x4F10] =	vst v63  }
0x52: {  	s9 =	sadd.s32 $0xFFFFFD80, s7  }
0x53: {  	[hbm4b:s9+s25] =	stream.strided.scatter [tilespmem:s19], [sflag:$0x6], $0xA00, s26, s25, $0x38;
	[tilespmem:$0x4F10] =	vst v63  }
0x54: {  	_ =	swait.ge [sflag:s28], $0xA00  }
0x55: {  	[sflag:s28] =	ssyncset.done $0x0  }
0x56: {  	[sflag:s28] =	ssyncadd.s32 $0xFFFFF600  }
0x57: {  	_ =	swait.ge [sflag:s29], $0xA00  }
0x58: {  	[sflag:s29] =	ssyncset.done $0x0  }
0x59: {  	s14 =	sadd.s32 $0xFFFFFFF8, s7;
	[sflag:s29] =	ssyncadd.s32 $0xFFFFF600  }
0x5a: {  	[hbm4b:s14+s25] =	stream.strided.scatter [tilespmem:s20], [sflag:$0x7], $0xA00, s26, s25, $0x38;
	[tilespmem:$0x4F10] =	vst v63  }
0x5b: {  	s5 =	simm.s32 $0x140;
	s6 =	sadd.s32 $0x500, s7;
	s14 =	smov.u32 s7  }
.LBB2_2:
0x5c: {  	[hbm4b:s14+s25] =	stream.strided.scatter [tilespmem:s22], [sflag:$0x8], $0xA00, s26, s25, $0x38;
	[tilespmem:$0x4F10] =	vst v63  }
0x5d: {  	s8 =	smov.u32 s5;
	s14 =	smov.u32 s6  }
0x5e: {  	p0 =	sne.s32 s5, $0x4B00;
	s5 =	sadd.s32 $0x140, s5;
	_ =	swait.ge [sflag:s30], $0xA00  }
0x5f: {  	[sflag:s30] =	ssyncset.done $0x0  }
0x60: {  	[sflag:s30] =	ssyncadd.s32 $0xFFFFF600  }
0x61: {  	_ =	swait.ge [sflag:s31], $0xA00  }
0x62: {  	[sflag:s31] =	ssyncset.done $0x0  }
0x63: {  	[sflag:s31] =	ssyncadd.s32 $0xFFFFF600  }
0x64: {  	_ =	swait.ge [sflag:s1], $0xA00  }
0x65: {  	[sflag:s1] =	ssyncset.done $0x0  }
0x66: {  	[sflag:s1] =	ssyncadd.s32 $0xFFFFF600  }
0x67: {  	_ =	swait.ge [sflag:s0], $0xA00  }
0x68: {  	s8 =	sshra.s32 s8, $0x2;
	[sflag:s0] =	ssyncset.done $0x0  }
0x69: {  	s9 =	sadd.s32 $0x50, s8;
	[sflag:s0] =	ssyncadd.s32 $0xFFFFF600  }
0x6a: {  	[tilespmem:s18], [sflag:$0x1] =	stream.indirect.gather [hbm4b:s3+s17], $0x40, s9, s17, $0xb8;
	[tilespmem:$0x4F10] =	vst v63  }
0x6b: {  	s9 =	sadd.s32 $0x13D8, s8  }
0x6c: {  	[tilespmem:s19], [sflag:$0x2] =	stream.indirect.gather [hbm4b:s4+s17], $0x40, s9, s17, $0xb8;
	[tilespmem:$0x4F10] =	vst v63  }
0x6d: {  	s9 =	sadd.s32 $0x78, s8  }
0x6e: {  	[tilespmem:s20], [sflag:$0x3] =	stream.indirect.gather [hbm4b:s3+s17], $0x40, s9, s17, $0xb8;
	[tilespmem:$0x4F10] =	vst v63  }
0x6f: {  	s8 =	sadd.s32 $0x1400, s8  }
0x70: {  	[tilespmem:s22], [sflag:$0x4] =	stream.indirect.gather [hbm4b:s4+s17], $0x40, s8, s17, $0xb8;
	[tilespmem:$0x4F10] =	vst v63  }
0x71: {  	_ =	swait.ge [sflag:s23], $0xA00  }
0x72: {  	[sflag:s23] =	ssyncset.done $0x0  }
0x73: {  	[sflag:s23] =	ssyncadd.s32 $0xFFFFF600  }
0x74: {  	_ =	swait.ge [sflag:s24], $0xA00  }
0x75: {  	[sflag:s24] =	ssyncset.done $0x0  }
0x76: {  	s8 =	sadd.s32 $0xFFFFFD78, s6;
	[sflag:s24] =	ssyncadd.s32 $0xFFFFF600  }
0x77: {  	[hbm4b:s8+s25] =	stream.strided.scatter [tilespmem:s18], [sflag:$0x5], $0xA00, s26, s25, $0x38;
	[tilespmem:$0x4F10] =	vst v63  }
0x78: {  	s8 =	sadd.s32 $0xFFFFFD80, s6  }
0x79: {  	[hbm4b:s8+s25] =	stream.strided.scatter [tilespmem:s19], [sflag:$0x6], $0xA00, s26, s25, $0x38;
	[tilespmem:$0x4F10] =	vst v63  }
0x7a: {  	_ =	swait.ge [sflag:s28], $0xA00  }
0x7b: {  	[sflag:s28] =	ssyncset.done $0x0  }
0x7c: {  	[sflag:s28] =	ssyncadd.s32 $0xFFFFF600  }
.Ltmp0:
0x7d: {  	_ =	swait.ge [sflag:s29], $0xA00;
	(pc) =	sbr.rel @p0 .LBB2_2-.Ltmp0, $4  }
0x7e: {  	[sflag:s29] =	ssyncset.done $0x0  }
0x7f: {  	s8 =	sadd.s32 $0xFFFFFFF8, s6;
	[sflag:s29] =	ssyncadd.s32 $0xFFFFF600  }
0x80: {  	[hbm4b:s8+s25] =	stream.strided.scatter [tilespmem:s20], [sflag:$0x7], $0xA00, s26, s25, $0x38;
	[tilespmem:$0x4F10] =	vst v63  }
0x81: {  	s6 =	sadd.s32 $0x500, s6  }
0x82: {  	[hbm4b:s14+s25] =	stream.strided.scatter [tilespmem:s22], [sflag:$0x8], $0xA00, s26, s25, $0x38;
	[tilespmem:$0x4F10] =	vst v63  }
0x83: {  	_ =	swait.ge [sflag:s30], $0xA00  }
0x84: {  	[sflag:s30] =	ssyncset.done $0x0  }
0x85: {  	[sflag:s30] =	ssyncadd.s32 $0xFFFFF600  }
0x86: {  	_ =	swait.ge [sflag:s31], $0xA00  }
0x87: {  	[sflag:s31] =	ssyncset.done $0x0  }
0x88: {  	s5 =	simm.s32 $0x1360;
	[sflag:s31] =	ssyncadd.s32 $0xFFFFF600  }
0x89: {  	[tilespmem:s18], [sflag:$0x1] =	stream.indirect.gather [hbm4b:s3+s17], $0x40, s5, s17, $0xb8;
	[tilespmem:$0x4F10] =	vst v63  }
0x8a: {  	s6 =	simm.s32 $0x26E8  }
0x8b: {  	[tilespmem:s19], [sflag:$0x2] =	stream.indirect.gather [hbm4b:s4+s17], $0x40, s6, s17, $0xb8;
	[tilespmem:$0x4F10] =	vst v63  }
0x8c: {  	_ =	swait.ge [sflag:s23], $0xA00  }
0x8d: {  	[sflag:s23] =	ssyncset.done $0x0  }
0x8e: {  	[sflag:s23] =	ssyncadd.s32 $0xFFFFF600  }
0x8f: {  	_ =	swait.ge [sflag:s24], $0xA00  }
0x90: {  	[sflag:s24] =	ssyncset.done $0x0  }
0x91: {  	s8 =	rddreg [dreg:$0x4];
	[sflag:s24] =	ssyncadd.s32 $0xFFFFF600  }
0x92: {  	[hbm4b:s8+s25] =	stream.strided.scatter [tilespmem:s18], [sflag:$0x5], $0xA00, s26, s25, $0x38;
	[tilespmem:$0x4F10] =	vst v63  }
0x93: {  	s9 =	rddreg [dreg:$0x5]  }
0x94: {  	[hbm4b:s9+s25] =	stream.strided.scatter [tilespmem:s19], [sflag:$0x6], $0xA00, s26, s25, $0x38;
	[tilespmem:$0x4F10] =	vst v63  }
0x95: {  	_ =	swait.ge [sflag:s1], $0xA00  }
0x96: {  	[sflag:s1] =	ssyncset.done $0x0  }
0x97: {  	[sflag:s1] =	ssyncadd.s32 $0xFFFFF600  }
0x98: {  	_ =	swait.ge [sflag:s0], $0xA00  }
0x99: {  	[sflag:s0] =	ssyncset.done $0x0  }
0x9a: {  	[sflag:s0] =	ssyncadd.s32 $0xFFFFF600  }
0x9b: {  	_ =	swait.ge [sflag:s30], $0xA00  }
0x9c: {  	[sflag:s30] =	ssyncset.done $0x0  }
0x9d: {  	[sflag:s30] =	ssyncadd.s32 $0xFFFFF600  }
0x9e: {  	_ =	swait.ge [sflag:s31], $0xA00  }
0x9f: {  	s21 =	sadd.s32 $0x1, s21;
	s14 =	rddreg [dreg:$0x6]  }
0xa0: {  	p0 =	sne.s32 s21, s14  }
.Ltmp1:
0xa1: {  	_ = 	snop;
	(pc) =	sbr.rel @p0 .LBB2_1-.Ltmp1, $3  }
0xa2: {  	_ =	sdelay $0x1  }
0xa3: {  	[sflag:s31] =	ssyncset.done $0x0  }
0xa4: {  	[sflag:s31] =	ssyncadd.s32 $0xFFFFF600  }
0xa5: {  	_ =	sfence.sel $0x180000  }
0xa6: {  	[bflag:$0x0] =	sbarrier.arrive $0xFFFF  }
0xa7: {  	_ =	strace $0x9000004A  }
0xa8: {  	s0 =	stileid.u32;
	[bflag:$0x2] =	sbarrier.arrive $0xFFFF  }
0xa9: {  	p0 =	sne.s32 s0, $0x0;
	s0 =	rddreg [dreg:$0x1]  }
0xaa: {  	s0 =	sadd.s32 @!p0 $0x100000, s0  }
0xab: {  	[sflag:s0] =	ssyncadd.tile.s32 @!p0 $0x1;
	_ =	shalt  }
.Lfunc_end2:
_tile_overlayer_lowered:
.L_overlay_start_2:
0xac: {  	(tag) =	ssettag $0x2  }
0xad: {  	s0 =	rddreg [dreg:$0x0];
	s2 =	stileid.u32  }
0xae: {  	s1 =	rddreg [dreg:$0x1];
	p0 =	sne.s32 s2, $0x0  }
0xaf: {  	s3 =	rddreg [dreg:$0x2];
	[bflag:$0x3] =	sbarrier.arrive $0xFFFF;
	s2 =	simm.s32 @!p0 $0x1C09  }
0xb0: {  	[timem:s3], [sflag:s2] =	dma.local @!p0 [hbm:s0], s1  }
0xb1: {  	s0 =	simm.s32 @!p0 $0x9  }
0xb2: {  	_ =	swait.ge @!p0 [sflag:s0], s1  }
0xb3: {  	s1 =	ssub.s32 @!p0 $0x0, s1;
	[sflag:s0] =	ssyncset.done @!p0 $0x0  }
0xb4: {  	[sflag:s0] =	ssyncadd.s32 @!p0 s1  }
0xb5: {  	[bflag:$0x3] =	sbarrier.arrive $0xFFFF  }
0xb6: {  	_ =	shalt  }

// kernel: kernel.14.cloned.1.call-start
scs
__scs_entry_jumppad:
0x0: {  	(pc) =	sbr.rel $0x88, $3  }
0x1: {  	(tag) =	ssettag $0x0;
	lr =	simm.s32 $0x1  }
0x2: {  	[smem:$0x3F97] =	sst lr;
	_ =	strace $0xD0000000  }
0x3: {  	_ = 	snop  }
0x4: {  	_ = 	snop  }
0x5: {  	_ = 	snop  }
0x6: {  	_ = 	snop  }
0x7: {  	_ = 	snop  }
__scs_overlays_trampoline_lowered:
0x8: {  	[smem:$0x3FA6] =	sst s0  }
0x9: {  	[smem:$0x3FA7] =	sst s1  }
0xa: {  	[smem:$0x3FA8] =	sst s2  }
0xb: {  	[smem:$0x3FA9] =	sst s3  }
0xc: {  	[smem:$0x3FAA] =	sst s4  }
0xd: {  	[smem:$0x3FAB] =	sst s5  }
0xe: {  	[smem:$0x3FAC] =	sst s6  }
0xf: {  	[smem:$0x3FAD] =	sst s7  }
0x10: {  	[smem:$0x3FAE] =	sst s8  }
0x11: {  	[smem:$0x3FAF] =	sst s9;
	s0 =	simm.s32 @!p0 $0x0  }
0x12: {  	s1 =	sld [smem:$0x3F95];
	s0 =	simm.s32 @p0 $0x1  }
0x13: {  	[smem:$0x3FB0] =	sst s0;
	s0 =	simm.s32 @!p1 $0x0  }
0x14: {  	s2 =	sld [smem:$0x3F94];
	s0 =	simm.s32 @p1 $0x1  }
0x15: {  	[smem:$0x3FB1] =	sst s0;
	s0 =	simm.s32 @!p2 $0x0  }
0x16: {  	s3 =	sld [smem:$0x3FDB];
	s0 =	simm.s32 @p2 $0x1  }
0x17: {  	s4 =	simm.s32 $0x1BF5;
	[smem:$0x3FB3] =	sst s0  }
0x18: {  	s0 =	sld [smem:$0x3F96];
	_ =	swait.ge [sflag:s4], $0x0  }
0x19: {  	s7 =	sld [smem:$0x3F97]  }
0x1a: {  	s8 =	sadd.s32 $0xFFFFE003, lr  }
0x1b: {  	s9 =	sadd.s32 $0xFFFFFEF7, lr;
	s5 =	simm.s32 $0xFFFFFFFF;
	p2 =	slt.u32 s8, $0xFFFFF086  }
0x1c: {  	p1 =	slt.u32 s9, $0xF7A;
	s5 =	simm.s32 @!p2 $0x0  }
0x1d: {  	s5 =	simm.s32 @p1 $0x1;
	p0 =	seq.s32 s7, s2  }
0x1e: {  	s7 =	smul.u32 @!p0 $0xF7A, s2;
	p2 =	seq.s32 @!p0 s5, $0x0  }
0x1f: {  	s9 =	smul.u32 $0xF7A, s1;
	s8 =	simm.s32 @!p0 $0x1BF5;
	p2 =	por !p2, p0  }
0x20: {  	[sflag:s8] =	ssyncset.s32 @!p0 $0xFFFFF086;
	s6 =	sadd.s32 @!p0 s3, s7;
	s7 =	simm.s32 @!p0 $0x108  }
0x21: {  	s3 =	sadd.s32 s3, s9;
	s6 =	sadd.s32 @!p0 $0x88, s6;
	s7 =	simm.s32 @p2 $0x1082  }
0x22: {  	[simem:s7], [sflag:s8] =	dma.local @!p0 [hbm:s6], $0xF7A  }
0x23: {  	s9 =	sor.u32 $0xD0000000, s2;
	s6 =	simm.s32 $0x108;
	_ =	swait.ge @!p0 [sflag:s8], $0x0  }
0x24: {  	s3 =	sadd.s32 $0x88, s3;
	s6 =	simm.s32 @!p1 $0x1082;
	[sflag:s4] =	ssyncset.s32 $0xFFFFF086  }
0x25: {  	[simem:s6], [sflag:s4] =	dma.local [hbm:s3], $0xF7A  }
0x26: {  	[smem:$0x3F97] =	sst s1;
	(tag) =	ssettag s2;
	_ =	strace s9  }
0x27: {  	s1 =	sld [smem:$0x3FA7]  }
0x28: {  	s2 =	sld [smem:$0x3FA8]  }
0x29: {  	s4 =	sld [smem:$0x3FAA]  }
0x2a: {  	p0 =	seq.s32 s5, $0x0;
	s5 =	sld [smem:$0x3FAB]  }
0x2b: {  	s6 =	sld [smem:$0x3FAC]  }
0x2c: {  	s7 =	sld [smem:$0x3FAD]  }
0x2d: {  	s3 =	simm.s32 $0x108;
	s8 =	sld [smem:$0x3FAE]  }
0x2e: {  	s3 =	simm.s32 @!p0 $0x1082;
	s9 =	sld [smem:$0x3FAF]  }
0x2f: {  	lr =	sadd.s32 s0, s3;
	s0 =	sld [smem:$0x3FA6]  }
0x30: {  	s3 =	sld [smem:$0x3FA9]  }
0x31: {  	[smem:$0x3FB2] =	sst s10  }
0x32: {  	s10 =	sld [smem:$0x3FB0];
	_ =	sdelay $0x3  }
0x33: {  	p0 =	seq.s32 s10, $0x1;
	s10 =	sld [smem:$0x3FB2];
	_ =	sdelay $0x3  }
0x34: {  	[smem:$0x3FB2] =	sst s10  }
0x35: {  	s10 =	sld [smem:$0x3FB1];
	_ =	sdelay $0x3  }
0x36: {  	p1 =	seq.s32 s10, $0x1;
	s10 =	sld [smem:$0x3FB2];
	_ =	sdelay $0x3  }
0x37: {  	[smem:$0x3FB2] =	sst s10  }
0x38: {  	s10 =	sld [smem:$0x3FB3]  }
0x39: {  	_ = 	snop;
	(pc) =	sbr.ind lr, $3  }
0x3a: {  	_ = 	snop  }
0x3b: {  	_ = 	snop  }
0x3c: {  	p2 =	seq.s32 s10, $0x1;
	s10 =	sld [smem:$0x3FB2]  }
0x3d: {  	_ =	shalt  }
0x3e: {  	_ =	shalt  }
0x3f: {  	_ =	shalt  }
0x40: {  	_ =	shalt  }
0x41: {  	_ =	shalt  }
0x42: {  	_ =	shalt  }
0x43: {  	_ =	shalt  }
0x44: {  	_ =	shalt  }
0x45: {  	_ =	shalt  }
0x46: {  	_ =	shalt  }
0x47: {  	_ =	shalt  }
0x48: {  	_ =	shalt  }
0x49: {  	_ =	shalt  }
0x4a: {  	_ =	shalt  }
0x4b: {  	_ =	shalt  }
0x4c: {  	_ =	shalt  }
0x4d: {  	_ =	shalt  }
0x4e: {  	_ =	shalt  }
0x4f: {  	_ =	shalt  }
0x50: {  	_ =	shalt  }
0x51: {  	_ =	shalt  }
0x52: {  	_ =	shalt  }
0x53: {  	_ =	shalt  }
0x54: {  	_ =	shalt  }
0x55: {  	_ =	shalt  }
0x56: {  	_ =	shalt  }
0x57: {  	_ =	shalt  }
0x58: {  	_ =	shalt  }
0x59: {  	_ =	shalt  }
0x5a: {  	_ =	shalt  }
0x5b: {  	_ =	shalt  }
0x5c: {  	_ =	shalt  }
0x5d: {  	_ =	shalt  }
0x5e: {  	_ =	shalt  }
0x5f: {  	_ =	shalt  }
0x60: {  	_ =	shalt  }
0x61: {  	_ =	shalt  }
0x62: {  	_ =	shalt  }
0x63: {  	_ =	shalt  }
0x64: {  	_ =	shalt  }
0x65: {  	_ =	shalt  }
0x66: {  	_ =	shalt  }
0x67: {  	_ =	shalt  }
0x68: {  	_ =	shalt  }
0x69: {  	_ =	shalt  }
0x6a: {  	_ =	shalt  }
0x6b: {  	_ =	shalt  }
0x6c: {  	_ =	shalt  }
0x6d: {  	_ =	shalt  }
0x6e: {  	_ =	shalt  }
0x6f: {  	_ =	shalt  }
0x70: {  	_ =	shalt  }
0x71: {  	_ =	shalt  }
0x72: {  	_ =	shalt  }
0x73: {  	_ =	shalt  }
0x74: {  	_ =	shalt  }
0x75: {  	_ =	shalt  }
0x76: {  	_ =	shalt  }
0x77: {  	_ =	shalt  }
0x78: {  	_ =	shalt  }
0x79: {  	_ =	shalt  }
0x7a: {  	_ =	shalt  }
0x7b: {  	_ =	shalt  }
0x7c: {  	_ =	shalt  }
0x7d: {  	_ =	shalt  }
0x7e: {  	_ =	shalt  }
0x7f: {  	_ =	shalt  }
0x80: {  	_ =	shalt  }
0x81: {  	_ =	shalt  }
0x82: {  	_ =	shalt  }
0x83: {  	_ =	shalt  }
0x84: {  	_ =	shalt  }
0x85: {  	_ =	shalt  }
0x86: {  	_ =	shalt  }
0x87: {  	_ =	shalt  }
.Lfunc_end0:
.L_simem_size_0:
called_computation.2_lowered:
.L_overlay_start_0:
0x88: {  	s2 =	sld [smem:$0x3FD9]  }
0x89: {  	s3 =	sld [smem:$0x3FFE];
	_ =	sdelay $0x1  }
0x8a: {  	s1 =	srdreg.scid  }
0x8b: {  	s0 =	sand.u32 $0x1, s1  }
0x8c: {  	s17 =	sshll.u32 s0, $0xA;
	s2 =	sadd.s32 s3, s2  }
0x8d: {  	s2 =	sadd.s32 s2, s17  }
0x8e: {  	[smem:$0x3FBE] =	sst s2  }
0x8f: {  	_ = 	snop  }
0x90: {  	s2 =	sld [smem:$0x3FD0];
	(tm) =	ssettm $0x1  }
0x91: {  	s18 =	sld [smem:$0x3FFB];
	_ =	sdelay $0x3  }
0x92: {  	_ =	strace s18  }
0x93: {  	s3 =	sld [smem:$0x3FFC];
	_ =	sdelay $0x3  }
0x94: {  	_ =	strace s3  }
0x95: {  	s3 =	sld [smem:$0x3FFD];
	_ =	sdelay $0x3  }
0x96: {  	_ =	strace s3  }
0x97: {  	_ =	strace $0x8FFFFFFF  }
0x98: {  	s19 =	sld [smem:$0x3FDB];
	_ =	sdelay $0x1  }
0x99: {  	s4 =	simm.s32 $_scs_section_size  }
0x9a: {  	s5 =	simm.s32 $_size__tile_overlayer_lowered;
	s6 =	simm.s32 $_tile_overlayer_lowered  }
0x9b: {  	s22 =	simm.s32 $0x1BFF;
	s21 =	sshll.u32 s6, $0x1;
	s3 =	sadd.s32 s4, s19  }
0x9c: {  	s7 =	simm.s32 $0x0;
	s20 =	sshll.u32 s5, $0x1;
	s5 =	sadd.s32 s21, s3  }
0x9d: {  	[timem:s7], [sflag:s22] =	dma.local [hbm:s5], s20  }
0x9e: {  	_ =	swait.ge [sflag:s22], s20  }
0x9f: {  	s4 =	ssub.s32 $0x0, s20;
	[sflag:s22] =	ssyncset.done $0x0  }
0xa0: {  	[sflag:s22] =	ssyncadd.s32 s4;
	_ =	sdelay $0x1  }
0xa1: {  	s23 =	simm.s32 $0x1B8B  }
0xa2: {  	_ =	swait.ge [sflag:s23], $0x1  }
0xa3: {  	[sflag:s23] =	ssyncset.done $0x0  }
0xa4: {  	s25 =	simm.s32 $0x1B8E;
	s24 =	sld [smem:$0x3FFE];
	[sflag:s23] =	ssyncadd.s32 $0xFFFFFFFF  }
0xa5: {  	s26 =	simm.s32 $execute0_lowered;
	[smem:$0x3FD2] =	sst s25  }
0xa6: {  	s5 =	sshll.u32 s26, $0x1;
	_ =	strace $0x8000004C;
	[dreg:$0x1] =	wrdreg $0xFFFFFFFF  }
0xa7: {  	s28 =	simm.s32 $_size_execute0_lowered;
	s3 =	sadd.s32 s3, s5;
	[dreg:$0x0] =	wrdreg $0x0  }
0xa8: {  	s5 =	sshll.u32 s28, $0x1;
	[dreg:$0x2] =	wrdreg s3  }
0xa9: {  	[dreg:$0x3] =	wrdreg s5  }
0xaa: {  	[dreg:$0x4] =	wrdreg $0xC0  }
0xab: {  	_ =	task [dreg:s7], $0x5FFFF  }
0xac: {  	[dreg:$0x1] =	wrdreg $0xFFFFFFFF  }
0xad: {  	[dreg:$0x0] =	wrdreg $0x60  }
0xae: {  	[dreg:$0x2] =	wrdreg s24  }
0xaf: {  	[dreg:$0x3] =	wrdreg s2  }
0xb0: {  	[dreg:$0x4] =	wrdreg $0x9C400  }
0xb1: {  	[dreg:$0x5] =	wrdreg $0x9EB80  }
0xb2: {  	[dreg:$0x6] =	wrdreg $0xA1300  }
0xb3: {  	[dreg:$0x7] =	wrdreg $0x9  }
0xb4: {  	_ =	task.clear_ibuf [dreg:s7], $0x8FFFF;
	_ =	strace $0x9000004C  }
0xb5: {  	s29 =	simm.s32 $0x9;
	_ =	strace $0x8000004E  }
0xb6: {  	_ =	swait.ge [sflag:s29], $0x1  }
0xb7: {  	[sflag:s29] =	ssyncadd.s32 $0xFFFFFFFF  }
0xb8: {  	_ =	strace $0x9000004E  }
0xb9: {  	_ =	sfence  }
0xba: {  	s30 =	sld [smem:$0x0];
	_ =	sdelay $0x2  }
0xbb: {  	s31 =	sshll.u32 s1, $0xD;
	s1 =	sshrl.u32 s1, $0x2  }
0xbc: {  	s3 =	sand.u32 $0x4000, s31;
	s1 =	sadd.s32 s1, s30  }
0xbd: {  	s0 =	sor.u32 s3, s0;
	s1 =	sshll.u32 s1, $0x11  }
0xbe: {  	s0 =	sor.u32 s1, s0  }
0xbf: {  	s0 =	sadd.s32 $0x8F2B, s0  }
0xc0: {  	[sflag:s0] =	ssyncadd.remote.s32 $0x1  }
0xc1: {  	_ =	sfence.sel $0xFFFF  }
0xc2: {  	[dreg:$0x0] =	wrdreg $0xFFFFFFFF;
	(pc) =	sbr.abs _section_cstart, $3  }
0xc3: {  	[dreg:$0x1] =	wrdreg $0xFFFFFFFF  }
0xc4: {  	_ =	task.clear_ibuf [dreg:s7], $0x2FFFF;
	_ =	strace $0x9FFFFFFF  }
0xc5: {  	(tm) =	ssettm $0x7FFFFFFF  }
tec
execute0_lowered:
.L_overlay_start_1:
0x0: {  	(tag) =	ssettag $0x1  }
0x1: {  	s7 =	rddreg [dreg:$0x0]  }
0x2: {  	s0 =	rddreg [dreg:$0x1]  }
0x3: {  	s1 =	rddreg [dreg:$0x2]  }
0x4: {  	s4 =	rddreg [dreg:$0x3]  }
0x5: {  	s3 =	srdreg.scid;
	s5 =	rddreg [dreg:$0x4];
	s6 =	simm.s32 $0x0  }
0x6: {  	s2 =	stileid.u32;
	[smem:$0x7FF] =	sst s6  }
0x7: {  	s11 =	sand.u32 $0x1, s3;
	s14 =	sadd.s32 $0x2BC400, s7;
	s15 =	sadd.s32 $0x2BB800, s7  }
0x8: {  	s30 =	sshll.u32 s2, $0x1;
	s16 =	sadd.s32 $0x2BD600, s7;
	s17 =	sadd.s32 $0x2BCA00, s7  }
0x9: {  	s13 =	sadd.s32 $0x2BD000, s7;
	s18 =	sadd.s32 $0x2BBE00, s7;
	s31 =	smul.u32 $0x3E8, s2  }
0xa: {  	p0 =	slt.u32 s2, $0x8;
	s8 =	sor.u32 s11, s30;
	_ =	strace $0x8000004D  }
0xb: {  	s19 =	ssub.s32 $0x2, s11;
	p1 =	seq.s32 s11, $0x1;
	s8 =	smul.u32 $0x2710, s8  }
0xc: {  	s20 =	sshrl.u32 s19, $0x1;
	s23 =	sshrl.u32 s31, $0x3;
	s24 =	sadd.s32 s31, s1  }
0xd: {  	s25 =	sadd.s32 s31, s4;
	s13 =	smov.u32 @p1 s16;
	s14 =	smov.u32 @p1 s17  }
0xe: {  	s15 =	smov.u32 @p1 s18;
	p1 =	sgt.u32 s2, $0x9;
	s19 =	ssub.s32 s19, s20  }
0xf: {  	s20 =	simm.s32 $0x4E20;
	s9 =	sshrl.u32 s8, $0x3;
	s8 =	sadd.s32 $0xFFFD8F00, s8  }
0x10: {  	s11 =	smax.u32 s19, $0x1;
	s12 =	sadd.s32 s9, s7;
	s8 =	sshrl.u32 s8, $0x3  }
0x11: {  	s19 =	simm.s32 $0x2710;
	s10 =	sadd.s32 s8, s7;
	s7 =	sadd.s32 $0x2A2A00, s12  }
0x12: {  	s26 =	sadd.s32 s31, s5;
	s21 =	sadd.s32 $0x527800, s12;
	s22 =	sadd.s32 $0x52C800, s12  }
0x13: {  	s18 =	simm.s32 $0x1;
	s12 =	sadd.s32 $0x531800, s12;
	s8 =	sadd.s32 $0x2AC800, s10  }
0x14: {  	s9 =	sadd.s32 $0x2B1800, s10;
	s10 =	sadd.s32 $0x2B6800, s10;
	s8 =	smov.u32 @p0 s21  }
0x15: {  	s9 =	smov.u32 @p0 s22;
	s10 =	smov.u32 @p0 s12;
	s12 =	sadd.s32 s13, s23  }
0x16: {  	p0 =	sne.s32 s2, $0x0;
	s13 =	sadd.s32 s14, s23;
	s14 =	sadd.s32 s15, s23  }
0x17: {  	s21 =	simm.s32 $0x7530;
	s22 =	simm.s32 $0x50;
	s23 =	sshrl.u32 @!p1 s24, $0x3  }
0x18: {  	s24 =	sshrl.u32 @!p1 s25, $0x3;
	s25 =	sshrl.u32 @!p1 s26, $0x3;
	s26 =	simm.s32 $0x0  }
0x19: {  	s15 =	sshrl.u32 @!p0 s1, $0x3;
	s16 =	sshrl.u32 @!p0 s4, $0x3;
	s17 =	sshrl.u32 @!p0 s5, $0x3  }
.LBB2_1:
0x1a: {  	s28 =	simm.s32 @!p0 $0x1C01;
	s29 =	simm.s32 @!p0 $0x1  }
0x1b: {  	[spmem:s15], [sflag:s28] =	dma.local @!p0 [hbm:s0], $0x4E2  }
0x1c: {  	_ =	swait.ge @!p0 [sflag:s29], $0x4E2  }
0x1d: {  	[sflag:s29] =	ssyncset.done @!p0 $0x0  }
0x1e: {  	[sflag:s29] =	ssyncadd.s32 @!p0 $0xFFFFFB1E  }
0x1f: {  	[spmem:s16], [sflag:s28] =	dma.local @!p0 [hbm:s0], $0x4E2  }
0x20: {  	_ =	swait.ge @!p0 [sflag:s29], $0x4E2  }
0x21: {  	[sflag:s29] =	ssyncset.done @!p0 $0x0  }
0x22: {  	[sflag:s29] =	ssyncadd.s32 @!p0 $0xFFFFFB1E  }
0x23: {  	[spmem:s17], [sflag:s28] =	dma.local @!p0 [hbm:s0], $0x4E2  }
0x24: {  	_ =	swait.ge @!p0 [sflag:s29], $0x4E2  }
0x25: {  	[sflag:s29] =	ssyncset.done @!p0 $0x0  }
0x26: {  	[sflag:s29] =	ssyncadd.s32 @!p0 $0xFFFFFB1E  }
0x27: {  	[bflag:$0x0] =	sbarrier.arrive $0xFFFF  }
0x28: {  	[tilespmem:s6], [sflag:$0x1] =	stream.linear.gather [hbm4b:s7+s6], $0x2710, $0x38;
	[tilespmem:$0xA3A8] =	vst v63  }
0x29: {  	_ =	swait.ge [sflag:s18], $0x2710  }
0x2a: {  	[sflag:s18] =	ssyncset.done $0x0  }
0x2b: {  	[sflag:s18] =	ssyncadd.s32 $0xFFFFD8F0  }
0x2c: {  	[tilespmem:s19], [sflag:$0x1] =	stream.linear.gather [hbm4b:s8+s6], $0x2710, $0x38;
	[tilespmem:$0xA3A8] =	vst v63  }
0x2d: {  	_ =	swait.ge [sflag:s18], $0x2710  }
0x2e: {  	[sflag:s18] =	ssyncset.done $0x0  }
0x2f: {  	[sflag:s18] =	ssyncadd.s32 $0xFFFFD8F0  }
0x30: {  	[tilespmem:s20], [sflag:$0x1] =	stream.linear.gather [hbm4b:s9+s6], $0x2710, $0x38;
	[tilespmem:$0xA3A8] =	vst v63  }
0x31: {  	_ =	swait.ge [sflag:s18], $0x2710  }
0x32: {  	[sflag:s18] =	ssyncset.done $0x0  }
0x33: {  	[sflag:s18] =	ssyncadd.s32 $0xFFFFD8F0  }
0x34: {  	[tilespmem:s21], [sflag:$0x1] =	stream.linear.gather [hbm4b:s10+s6], $0x2710, $0x38;
	[tilespmem:$0xA3A8] =	vst v63  }
0x35: {  	_ =	swait.ge [sflag:s18], $0x2710  }
0x36: {  	[sflag:s18] =	ssyncset.done $0x0  }
0x37: {  	s28 =	simm.s32 $0x0;
	s29 =	simm.s32 $0x2710;
	[sflag:s18] =	ssyncadd.s32 $0xFFFFD8F0  }
0x38: {  	[spmem:s1] =	stream.indirect.scatter.add.f32 [tilespmem:s29], [sflag:$0x1], $0x1, s28, s22, $0xb8;
	[tilespmem:$0xA3A8] =	vst v63  }
0x39: {  	_ =	swait.ge [sflag:s18], $0x50  }
0x3a: {  	[sflag:s18] =	ssyncset.done $0x0  }
0x3b: {  	s29 =	simm.s32 $0x4E20;
	[sflag:s18] =	ssyncadd.s32 $0xFFFFFFB0  }
0x3c: {  	[spmem:s4] =	stream.indirect.scatter.add.f32 [tilespmem:s29], [sflag:$0x1], $0x1, s28, s22, $0xb8;
	[tilespmem:$0xA3A8] =	vst v63  }
0x3d: {  	_ =	swait.ge [sflag:s18], $0x50  }
0x3e: {  	[sflag:s18] =	ssyncset.done $0x0  }
0x3f: {  	s29 =	simm.s32 $0x7530;
	[sflag:s18] =	ssyncadd.s32 $0xFFFFFFB0  }
0x40: {  	[spmem:s5] =	stream.indirect.scatter.add.f32 [tilespmem:s29], [sflag:$0x1], $0x1, s28, s22, $0xb8;
	[tilespmem:$0xA3A8] =	vst v63  }
0x41: {  	_ =	swait.ge [sflag:s18], $0x50  }
0x42: {  	s29 =	simm.s32 $0x280;
	s28 =	simm.s32 $0x50;
	[sflag:s18] =	ssyncset.done $0x0  }
.LBB2_2:
0x43: {  	s30 =	sadd.s32 $0x2710, s28  }
0x44: {  	[sflag:s18] =	ssyncadd.s32 $0xFFFFFFB0;
	s31 =	smov.u32 s29;
	s3 =	sadd.s32 $0x140, s29  }
0x45: {  	[spmem:s1] =	stream.indirect.scatter.add.f32 [tilespmem:s30], [sflag:$0x1], $0x1, s28, s22, $0xb8;
	[tilespmem:$0xA3A8] =	vst v63  }
0x46: {  	p2 =	sne.s32 s29, $0x9B00;
	_ =	swait.ge [sflag:s18], $0x50  }
0x47: {  	[sflag:s18] =	ssyncset.done $0x0  }
0x48: {  	s29 =	sadd.s32 $0x4E20, s28;
	[sflag:s18] =	ssyncadd.s32 $0xFFFFFFB0  }
0x49: {  	[spmem:s4] =	stream.indirect.scatter.add.f32 [tilespmem:s29], [sflag:$0x1], $0x1, s28, s22, $0xb8;
	[tilespmem:$0xA3A8] =	vst v63  }
0x4a: {  	_ =	swait.ge [sflag:s18], $0x50  }
.Ltmp0:
0x4b: {  	[sflag:s18] =	ssyncset.done $0x0;
	(pc) =	sbr.rel @p2 .LBB2_2-.Ltmp0, $4  }
0x4c: {  	s29 =	sadd.s32 $0x7530, s28;
	[sflag:s18] =	ssyncadd.s32 $0xFFFFFFB0  }
0x4d: {  	[spmem:s5] =	stream.indirect.scatter.add.f32 [tilespmem:s29], [sflag:$0x1], $0x1, s28, s22, $0xb8;
	[tilespmem:$0xA3A8] =	vst v63  }
0x4e: {  	_ =	swait.ge [sflag:s18], $0x50  }
0x4f: {  	s28 =	sshra.s32 s31, $0x2;
	s29 =	smov.u32 s3;
	[sflag:s18] =	ssyncset.done $0x0  }
0x50: {  	s3 =	sadd.s32 $0x2710, s28;
	[sflag:s18] =	ssyncadd.s32 $0xFFFFFFB0  }
0x51: {  	[spmem:s1] =	stream.indirect.scatter.add.f32 [tilespmem:s3], [sflag:$0x1], $0x1, s28, s22, $0xb8;
	[tilespmem:$0xA3A8] =	vst v63  }
0x52: {  	_ =	swait.ge [sflag:s18], $0x50  }
0x53: {  	[sflag:s18] =	ssyncset.done $0x0  }
0x54: {  	s30 =	sadd.s32 $0x4E20, s28;
	[sflag:s18] =	ssyncadd.s32 $0xFFFFFFB0  }
0x55: {  	[spmem:s4] =	stream.indirect.scatter.add.f32 [tilespmem:s30], [sflag:$0x1], $0x1, s28, s22, $0xb8;
	[tilespmem:$0xA3A8] =	vst v63  }
0x56: {  	_ =	swait.ge [sflag:s18], $0x50  }
0x57: {  	[sflag:s18] =	ssyncset.done $0x0  }
0x58: {  	s31 =	sadd.s32 $0x7530, s28;
	[sflag:s18] =	ssyncadd.s32 $0xFFFFFFB0  }
0x59: {  	[spmem:s5] =	stream.indirect.scatter.add.f32 [tilespmem:s31], [sflag:$0x1], $0x1, s28, s22, $0xb8;
	[tilespmem:$0xA3A8] =	vst v63  }
0x5a: {  	_ =	swait.ge [sflag:s18], $0x50  }
0x5b: {  	[sflag:s18] =	ssyncset.done $0x0  }
0x5c: {  	s3 =	sshll.u32 @!p1 s2, $0x6;
	[sflag:s18] =	ssyncadd.s32 $0xFFFFFFB0  }
0x5d: {  	s3 =	sor.u32 @!p1 $0x1C01, s3;
	s28 =	simm.s32 @!p1 $0x1;
	[bflag:$0x0] =	sbarrier.arrive $0xFFFF  }
0x5e: {  	[hbm:s12], [sflag:s3] =	dma.local @!p1 [spmem:s23], $0x7D  }
0x5f: {  	_ =	swait.ge @!p1 [sflag:s28], $0x7D  }
0x60: {  	[sflag:s28] =	ssyncset.done @!p1 $0x0  }
0x61: {  	[sflag:s28] =	ssyncadd.s32 @!p1 $0xFFFFFF83  }
0x62: {  	[hbm:s13], [sflag:s3] =	dma.local @!p1 [spmem:s24], $0x7D  }
0x63: {  	s26 =	sadd.s32 $0x1, s26;
	_ =	swait.ge @!p1 [sflag:s28], $0x7D  }
0x64: {  	p2 =	sne.s32 s26, s11;
	[sflag:s28] =	ssyncset.done @!p1 $0x0  }
.Ltmp1:
0x65: {  	[sflag:s28] =	ssyncadd.s32 @!p1 $0xFFFFFF83;
	(pc) =	sbr.rel @p2 .LBB2_1-.Ltmp1, $4  }
0x66: {  	[hbm:s14], [sflag:s3] =	dma.local @!p1 [spmem:s25], $0x7D  }
0x67: {  	_ =	swait.ge @!p1 [sflag:s28], $0x7D  }
0x68: {  	[sflag:s28] =	ssyncset.done @!p1 $0x0  }
0x69: {  	[sflag:s28] =	ssyncadd.s32 @!p1 $0xFFFFFF83  }
0x6a: {  	_ =	sfence.sel $0x180000  }
0x6b: {  	[bflag:$0x0] =	sbarrier.arrive $0xFFFF  }
0x6c: {  	_ =	strace $0x9000004D  }
0x6d: {  	[bflag:$0x2] =	sbarrier.arrive $0xFFFF  }
0x6e: {  	s0 =	rddreg [dreg:$0x5]  }
0x6f: {  	s0 =	sadd.s32 @!p0 $0x100000, s0  }
0x70: {  	[sflag:s0] =	ssyncadd.tile.s32 @!p0 $0x1;
	_ =	shalt  }
.Lfunc_end2:
_tile_overlayer_lowered:
.L_overlay_start_2:
0x71: {  	(tag) =	ssettag $0x2  }
0x72: {  	s0 =	rddreg [dreg:$0x0];
	s2 =	stileid.u32  }
0x73: {  	s1 =	rddreg [dreg:$0x1];
	p0 =	sne.s32 s2, $0x0  }
0x74: {  	s3 =	rddreg [dreg:$0x2];
	[bflag:$0x3] =	sbarrier.arrive $0xFFFF;
	s2 =	simm.s32 @!p0 $0x1C01  }
0x75: {  	[timem:s3], [sflag:s2] =	dma.local @!p0 [hbm:s0], s1  }
0x76: {  	s0 =	simm.s32 @!p0 $0x1  }
0x77: {  	_ =	swait.ge @!p0 [sflag:s0], s1  }
0x78: {  	s1 =	ssub.s32 @!p0 $0x0, s1;
	[sflag:s0] =	ssyncset.done @!p0 $0x0  }
0x79: {  	[sflag:s0] =	ssyncadd.s32 @!p0 s1  }
0x7a: {  	[bflag:$0x3] =	sbarrier.arrive $0xFFFF  }
0x7b: {  	_ =	shalt  }

// kernel: kernel.8.cloned.1.call-start
scs
__scs_entry_jumppad:
0x0: {  	(pc) =	sbr.rel $0x88, $3  }
0x1: {  	(tag) =	ssettag $0x0;
	lr =	simm.s32 $0x1  }
0x2: {  	[smem:$0x3F97] =	sst lr;
	_ =	strace $0xD0000000  }
0x3: {  	_ = 	snop  }
0x4: {  	_ = 	snop  }
0x5: {  	_ = 	snop  }
0x6: {  	_ = 	snop  }
0x7: {  	_ = 	snop  }
__scs_overlays_trampoline_lowered:
0x8: {  	[smem:$0x3FA6] =	sst s0  }
0x9: {  	[smem:$0x3FA7] =	sst s1  }
0xa: {  	[smem:$0x3FA8] =	sst s2  }
0xb: {  	[smem:$0x3FA9] =	sst s3  }
0xc: {  	[smem:$0x3FAA] =	sst s4  }
0xd: {  	[smem:$0x3FAB] =	sst s5  }
0xe: {  	[smem:$0x3FAC] =	sst s6  }
0xf: {  	[smem:$0x3FAD] =	sst s7  }
0x10: {  	[smem:$0x3FAE] =	sst s8  }
0x11: {  	[smem:$0x3FAF] =	sst s9;
	s0 =	simm.s32 @!p0 $0x0  }
0x12: {  	s1 =	sld [smem:$0x3F95];
	s0 =	simm.s32 @p0 $0x1  }
0x13: {  	[smem:$0x3FB0] =	sst s0;
	s0 =	simm.s32 @!p1 $0x0  }
0x14: {  	s2 =	sld [smem:$0x3F94];
	s0 =	simm.s32 @p1 $0x1  }
0x15: {  	[smem:$0x3FB1] =	sst s0;
	s0 =	simm.s32 @!p2 $0x0  }
0x16: {  	s3 =	sld [smem:$0x3FDB];
	s0 =	simm.s32 @p2 $0x1  }
0x17: {  	s4 =	simm.s32 $0x1BF5;
	[smem:$0x3FB3] =	sst s0  }
0x18: {  	s0 =	sld [smem:$0x3F96];
	_ =	swait.ge [sflag:s4], $0x0  }
0x19: {  	s7 =	sld [smem:$0x3F97]  }
0x1a: {  	s8 =	sadd.s32 $0xFFFFE003, lr  }
0x1b: {  	s9 =	sadd.s32 $0xFFFFFEF7, lr;
	s5 =	simm.s32 $0xFFFFFFFF;
	p2 =	slt.u32 s8, $0xFFFFF086  }
0x1c: {  	p1 =	slt.u32 s9, $0xF7A;
	s5 =	simm.s32 @!p2 $0x0  }
0x1d: {  	s5 =	simm.s32 @p1 $0x1;
	p0 =	seq.s32 s7, s2  }
0x1e: {  	s7 =	smul.u32 @!p0 $0xF7A, s2;
	p2 =	seq.s32 @!p0 s5, $0x0  }
0x1f: {  	s9 =	smul.u32 $0xF7A, s1;
	s8 =	simm.s32 @!p0 $0x1BF5;
	p2 =	por !p2, p0  }
0x20: {  	[sflag:s8] =	ssyncset.s32 @!p0 $0xFFFFF086;
	s6 =	sadd.s32 @!p0 s3, s7;
	s7 =	simm.s32 @!p0 $0x108  }
0x21: {  	s3 =	sadd.s32 s3, s9;
	s6 =	sadd.s32 @!p0 $0x88, s6;
	s7 =	simm.s32 @p2 $0x1082  }
0x22: {  	[simem:s7], [sflag:s8] =	dma.local @!p0 [hbm:s6], $0xF7A  }
0x23: {  	s9 =	sor.u32 $0xD0000000, s2;
	s6 =	simm.s32 $0x108;
	_ =	swait.ge @!p0 [sflag:s8], $0x0  }
0x24: {  	s3 =	sadd.s32 $0x88, s3;
	s6 =	simm.s32 @!p1 $0x1082;
	[sflag:s4] =	ssyncset.s32 $0xFFFFF086  }
0x25: {  	[simem:s6], [sflag:s4] =	dma.local [hbm:s3], $0xF7A  }
0x26: {  	[smem:$0x3F97] =	sst s1;
	(tag) =	ssettag s2;
	_ =	strace s9  }
0x27: {  	s1 =	sld [smem:$0x3FA7]  }
0x28: {  	s2 =	sld [smem:$0x3FA8]  }
0x29: {  	s4 =	sld [smem:$0x3FAA]  }
0x2a: {  	p0 =	seq.s32 s5, $0x0;
	s5 =	sld [smem:$0x3FAB]  }
0x2b: {  	s6 =	sld [smem:$0x3FAC]  }
0x2c: {  	s7 =	sld [smem:$0x3FAD]  }
0x2d: {  	s3 =	simm.s32 $0x108;
	s8 =	sld [smem:$0x3FAE]  }
0x2e: {  	s3 =	simm.s32 @!p0 $0x1082;
	s9 =	sld [smem:$0x3FAF]  }
0x2f: {  	lr =	sadd.s32 s0, s3;
	s0 =	sld [smem:$0x3FA6]  }
0x30: {  	s3 =	sld [smem:$0x3FA9]  }
0x31: {  	[smem:$0x3FB2] =	sst s10  }
0x32: {  	s10 =	sld [smem:$0x3FB0];
	_ =	sdelay $0x3  }
0x33: {  	p0 =	seq.s32 s10, $0x1;
	s10 =	sld [smem:$0x3FB2];
	_ =	sdelay $0x3  }
0x34: {  	[smem:$0x3FB2] =	sst s10  }
0x35: {  	s10 =	sld [smem:$0x3FB1];
	_ =	sdelay $0x3  }
0x36: {  	p1 =	seq.s32 s10, $0x1;
	s10 =	sld [smem:$0x3FB2];
	_ =	sdelay $0x3  }
0x37: {  	[smem:$0x3FB2] =	sst s10  }
0x38: {  	s10 =	sld [smem:$0x3FB3]  }
0x39: {  	_ = 	snop;
	(pc) =	sbr.ind lr, $3  }
0x3a: {  	_ = 	snop  }
0x3b: {  	_ = 	snop  }
0x3c: {  	p2 =	seq.s32 s10, $0x1;
	s10 =	sld [smem:$0x3FB2]  }
0x3d: {  	_ =	shalt  }
0x3e: {  	_ =	shalt  }
0x3f: {  	_ =	shalt  }
0x40: {  	_ =	shalt  }
0x41: {  	_ =	shalt  }
0x42: {  	_ =	shalt  }
0x43: {  	_ =	shalt  }
0x44: {  	_ =	shalt  }
0x45: {  	_ =	shalt  }
0x46: {  	_ =	shalt  }
0x47: {  	_ =	shalt  }
0x48: {  	_ =	shalt  }
0x49: {  	_ =	shalt  }
0x4a: {  	_ =	shalt  }
0x4b: {  	_ =	shalt  }
0x4c: {  	_ =	shalt  }
0x4d: {  	_ =	shalt  }
0x4e: {  	_ =	shalt  }
0x4f: {  	_ =	shalt  }
0x50: {  	_ =	shalt  }
0x51: {  	_ =	shalt  }
0x52: {  	_ =	shalt  }
0x53: {  	_ =	shalt  }
0x54: {  	_ =	shalt  }
0x55: {  	_ =	shalt  }
0x56: {  	_ =	shalt  }
0x57: {  	_ =	shalt  }
0x58: {  	_ =	shalt  }
0x59: {  	_ =	shalt  }
0x5a: {  	_ =	shalt  }
0x5b: {  	_ =	shalt  }
0x5c: {  	_ =	shalt  }
0x5d: {  	_ =	shalt  }
0x5e: {  	_ =	shalt  }
0x5f: {  	_ =	shalt  }
0x60: {  	_ =	shalt  }
0x61: {  	_ =	shalt  }
0x62: {  	_ =	shalt  }
0x63: {  	_ =	shalt  }
0x64: {  	_ =	shalt  }
0x65: {  	_ =	shalt  }
0x66: {  	_ =	shalt  }
0x67: {  	_ =	shalt  }
0x68: {  	_ =	shalt  }
0x69: {  	_ =	shalt  }
0x6a: {  	_ =	shalt  }
0x6b: {  	_ =	shalt  }
0x6c: {  	_ =	shalt  }
0x6d: {  	_ =	shalt  }
0x6e: {  	_ =	shalt  }
0x6f: {  	_ =	shalt  }
0x70: {  	_ =	shalt  }
0x71: {  	_ =	shalt  }
0x72: {  	_ =	shalt  }
0x73: {  	_ =	shalt  }
0x74: {  	_ =	shalt  }
0x75: {  	_ =	shalt  }
0x76: {  	_ =	shalt  }
0x77: {  	_ =	shalt  }
0x78: {  	_ =	shalt  }
0x79: {  	_ =	shalt  }
0x7a: {  	_ =	shalt  }
0x7b: {  	_ =	shalt  }
0x7c: {  	_ =	shalt  }
0x7d: {  	_ =	shalt  }
0x7e: {  	_ =	shalt  }
0x7f: {  	_ =	shalt  }
0x80: {  	_ =	shalt  }
0x81: {  	_ =	shalt  }
0x82: {  	_ =	shalt  }
0x83: {  	_ =	shalt  }
0x84: {  	_ =	shalt  }
0x85: {  	_ =	shalt  }
0x86: {  	_ =	shalt  }
0x87: {  	_ =	shalt  }
.Lfunc_end0:
.L_simem_size_0:
called_computation_lowered:
.L_overlay_start_0:
0x88: {  	s2 =	sld [smem:$0x3FD9]  }
0x89: {  	s3 =	sld [smem:$0x3FFE];
	_ =	sdelay $0x1  }
0x8a: {  	s1 =	srdreg.scid  }
0x8b: {  	s0 =	sand.u32 $0x1, s1  }
0x8c: {  	s16 =	sshll.u32 s0, $0xA;
	s2 =	sadd.s32 s3, s2  }
0x8d: {  	s2 =	sadd.s32 s2, s16  }
0x8e: {  	[smem:$0x3FBE] =	sst s2  }
0x8f: {  	_ = 	snop  }
0x90: {  	(tm) =	ssettm $0x1  }
0x91: {  	s17 =	sld [smem:$0x3FFB];
	_ =	sdelay $0x3  }
0x92: {  	_ =	strace s17  }
0x93: {  	s2 =	sld [smem:$0x3FFC];
	_ =	sdelay $0x3  }
0x94: {  	_ =	strace s2  }
0x95: {  	s2 =	sld [smem:$0x3FFD];
	_ =	sdelay $0x3  }
0x96: {  	_ =	strace s2  }
0x97: {  	_ =	strace $0x8FFFFFFF  }
0x98: {  	s18 =	sld [smem:$0x3FDB];
	_ =	sdelay $0x1  }
0x99: {  	s19 =	simm.s32 $_scs_section_size  }
0x9a: {  	s4 =	simm.s32 $_size__tile_overlayer_lowered;
	s5 =	simm.s32 $_tile_overlayer_lowered  }
0x9b: {  	s22 =	simm.s32 $0x1BFF;
	s21 =	sshll.u32 s5, $0x1;
	s2 =	sadd.s32 s19, s18  }
0x9c: {  	s6 =	simm.s32 $0x0;
	s20 =	sshll.u32 s4, $0x1;
	s4 =	sadd.s32 s21, s2  }
0x9d: {  	[timem:s6], [sflag:s22] =	dma.local [hbm:s4], s20  }
0x9e: {  	_ =	swait.ge [sflag:s22], s20  }
0x9f: {  	s3 =	ssub.s32 $0x0, s20;
	[sflag:s22] =	ssyncset.done $0x0  }
0xa0: {  	[sflag:s22] =	ssyncadd.s32 s3;
	_ =	sdelay $0x1  }
0xa1: {  	s23 =	simm.s32 $0x1B8B  }
0xa2: {  	_ =	swait.ge [sflag:s23], $0x1  }
0xa3: {  	[sflag:s23] =	ssyncset.done $0x0  }
0xa4: {  	s25 =	simm.s32 $0x1B8E;
	s24 =	sld [smem:$0x3FFE];
	[sflag:s23] =	ssyncadd.s32 $0xFFFFFFFF  }
0xa5: {  	s26 =	simm.s32 $execute0_lowered;
	[smem:$0x3FD2] =	sst s25  }
0xa6: {  	s4 =	sshll.u32 s26, $0x1;
	_ =	strace $0x80000046;
	[dreg:$0x1] =	wrdreg $0xFFFFFFFF  }
0xa7: {  	s28 =	simm.s32 $_size_execute0_lowered;
	s2 =	sadd.s32 s2, s4;
	[dreg:$0x0] =	wrdreg $0x0  }
0xa8: {  	s4 =	sshll.u32 s28, $0x1;
	[dreg:$0x2] =	wrdreg s2  }
0xa9: {  	[dreg:$0x3] =	wrdreg s4  }
0xaa: {  	[dreg:$0x4] =	wrdreg $0xC0  }
0xab: {  	_ =	task [dreg:s6], $0x5FFFF  }
0xac: {  	[dreg:$0x1] =	wrdreg $0xFFFFFFFF  }
0xad: {  	[dreg:$0x0] =	wrdreg $0x60  }
0xae: {  	[dreg:$0x2] =	wrdreg s24  }
0xaf: {  	[dreg:$0x3] =	wrdreg $0x9  }
0xb0: {  	_ =	task.clear_ibuf [dreg:s6], $0x4FFFF;
	_ =	strace $0x90000046  }
0xb1: {  	s29 =	simm.s32 $0x9;
	_ =	strace $0x80000048  }
0xb2: {  	_ =	swait.ge [sflag:s29], $0x1  }
0xb3: {  	[sflag:s29] =	ssyncadd.s32 $0xFFFFFFFF  }
0xb4: {  	_ =	strace $0x90000048  }
0xb5: {  	_ =	sfence  }
0xb6: {  	s30 =	sld [smem:$0x0];
	_ =	sdelay $0x2  }
0xb7: {  	s31 =	sshll.u32 s1, $0xD;
	s1 =	sshrl.u32 s1, $0x2  }
0xb8: {  	s3 =	sand.u32 $0x4000, s31;
	s1 =	sadd.s32 s1, s30  }
0xb9: {  	s0 =	sor.u32 s3, s0;
	s1 =	sshll.u32 s1, $0x11  }
0xba: {  	s0 =	sor.u32 s1, s0  }
0xbb: {  	s0 =	sadd.s32 $0x8F2B, s0  }
0xbc: {  	[sflag:s0] =	ssyncadd.remote.s32 $0x1  }
0xbd: {  	_ =	sfence.sel $0xFFFF  }
0xbe: {  	[dreg:$0x0] =	wrdreg $0xFFFFFFFF;
	(pc) =	sbr.abs _section_cstart, $3  }
0xbf: {  	[dreg:$0x1] =	wrdreg $0xFFFFFFFF  }
0xc0: {  	_ =	task.clear_ibuf [dreg:s6], $0x2FFFF;
	_ =	strace $0x9FFFFFFF  }
0xc1: {  	(tm) =	ssettm $0x7FFFFFFF  }
tec
execute0_lowered:
.L_overlay_start_1:
0x0: {  	(tag) =	ssettag $0x1  }
0x1: {  	s0 =	srdreg.scid  }
0x2: {  	s10 =	stileid.u32;
	s1 =	rddreg [dreg:$0x0];
	s2 =	simm.s32 $0x0  }
0x3: {  	s15 =	simm.s32 $0x9;
	s16 =	simm.s32 $0x1388;
	s17 =	simm.s32 $0x28  }
0x4: {  	s18 =	simm.s32 $0x2710;
	s19 =	simm.s32 $0x3110;
	s20 =	simm.s32 $0x3B10  }
0x5: {  	s28 =	simm.s32 $0x3;
	s29 =	simm.s32 $0x4;
	s30 =	simm.s32 $0x5  }
0x6: {  	s31 =	simm.s32 $0x6;
	s21 =	simm.s32 $0x0;
	s0 =	sand.u32 $0x1, s0  }
0x7: {  	s3 =	sshll.u32 s10, $0x1;
	[smem:$0x7FF] =	sst s2;
	s11 =	smul.u32 $0x27100, s10  }
0x8: {  	s5 =	sor.u32 s0, s3;
	s7 =	ssub.s32 $0x2, s0;
	s0 =	smul.u32 $0x13880, s0  }
0x9: {  	s4 =	sadd.s32 $0x14000, s1;
	s12 =	sadd.s32 $0x31A00, s1;
	s6 =	smul.u32 $0x1388, s5  }
0xa: {  	_ =	strace $0x80000047;
	s3 =	sadd.s32 $0x600, s1;
	s9 =	smul.u32 $0x9C400, s5  }
0xb: {  	s8 =	sshrl.u32 s7, $0x1;
	s5 =	smul.u32 $0x13880, s5;
	s26 =	sadd.s32 s11, s12  }
0xc: {  	s7 =	ssub.s32 s7, s8;
	s0 =	sadd.s32 s0, s26;
	s26 =	simm.s32 $0x80  }
0xd: {  	s6 =	sshrl.u32 s6, $0x3;
	s23 =	sshrl.u32 s9, $0x3;
	s25 =	smax.u32 s7, $0x1  }
0xe: {  	s10 =	sadd.s32 s12, s5;
	s7 =	sadd.s32 $0x788, s0;
	s0 =	simm.s32 $0x8  }
0xf: {  	s6 =	sadd.s32 s6, s1;
	s1 =	sadd.s32 $0x31A08, s1;
	[dreg:$0x6] =	wrdreg s25  }
0x10: {  	s25 =	simm.s32 $0x40;
	s22 =	sadd.s32 $0x2CA00, s6;
	s6 =	sadd.s32 $0x27A00, s6  }
0x11: {  	s11 =	sadd.s32 s5, s1;
	s5 =	sadd.s32 $0x280, s5;
	[dreg:$0x2] =	wrdreg s22  }
0x12: {  	[dreg:$0x3] =	wrdreg s6;
	s6 =	sadd.s32 s12, s23;
	s12 =	sadd.s32 s12, s5  }
0x13: {  	s13 =	sadd.s32 s5, s1;
	s22 =	simm.s32 $0x4510;
	s24 =	sadd.s32 $0x13600, s6  }
0x14: {  	s23 =	simm.s32 $0x1;
	s6 =	sadd.s32 $0x13608, s6;
	[dreg:$0x4] =	wrdreg s24  }
0x15: {  	s1 =	simm.s32 $0x7;
	[dreg:$0x5] =	wrdreg s6;
	s24 =	simm.s32 $0x2  }
.LBB2_1:
0x16: {  	s5 =	rddreg [dreg:$0x2]  }
0x17: {  	[tilespmem:s2], [sflag:$0x9] =	stream.linear.gather [hbm4b:s5+s2], $0x1388, $0x38;
	[tilespmem:$0x4F10] =	vst v63  }
0x18: {  	_ =	swait.ge [sflag:s15], $0x1388  }
0x19: {  	[sflag:s15] =	ssyncset.done $0x0  }
0x1a: {  	s14 =	rddreg [dreg:$0x3];
	[sflag:s15] =	ssyncadd.s32 $0xFFFFEC78  }
0x1b: {  	[tilespmem:s16], [sflag:$0x9] =	stream.linear.gather [hbm4b:s14+s2], $0x1388, $0x38;
	[tilespmem:$0x4F10] =	vst v63  }
0x1c: {  	_ =	swait.ge [sflag:s15], $0x1388  }
0x1d: {  	[sflag:s15] =	ssyncset.done $0x0  }
0x1e: {  	[sflag:s15] =	ssyncadd.s32 $0xFFFFEC78  }
0x1f: {  	[tilespmem:s18], [sflag:$0x1] =	stream.indirect.gather [hbm4b:s3+s17], $0x40, s2, s17, $0xb8;
	[tilespmem:$0x4F10] =	vst v63  }
0x20: {  	_ = 	snop  }
0x21: {  	[tilespmem:s19], [sflag:$0x2] =	stream.indirect.gather [hbm4b:s4+s17], $0x40, s16, s17, $0xb8;
	[tilespmem:$0x4F10] =	vst v63  }
0x22: {  	_ = 	snop  }
0x23: {  	[tilespmem:s20], [sflag:$0x3] =	stream.indirect.gather [hbm4b:s3+s17], $0x40, s17, s17, $0xb8;
	[tilespmem:$0x4F10] =	vst v63  }
0x24: {  	s6 =	simm.s32 $0x13B0  }
0x25: {  	[tilespmem:s22], [sflag:$0x4] =	stream.indirect.gather [hbm4b:s4+s17], $0x40, s6, s17, $0xb8;
	[tilespmem:$0x4F10] =	vst v63  }
0x26: {  	_ =	swait.ge [sflag:s23], $0xA00  }
0x27: {  	[sflag:s23] =	ssyncset.done $0x0  }
0x28: {  	[sflag:s23] =	ssyncadd.s32 $0xFFFFF600  }
0x29: {  	_ =	swait.ge [sflag:s24], $0xA00  }
0x2a: {  	[sflag:s24] =	ssyncset.done $0x0  }
0x2b: {  	[sflag:s24] =	ssyncadd.s32 $0xFFFFF600  }
0x2c: {  	[hbm4b:s10+s25] =	stream.strided.scatter [tilespmem:s18], [sflag:$0x5], $0xA00, s26, s25, $0x38;
	[tilespmem:$0x4F10] =	vst v63  }
0x2d: {  	_ = 	snop  }
0x2e: {  	[hbm4b:s11+s25] =	stream.strided.scatter [tilespmem:s19], [sflag:$0x6], $0xA00, s26, s25, $0x38;
	[tilespmem:$0x4F10] =	vst v63  }
0x2f: {  	_ =	swait.ge [sflag:s28], $0xA00  }
0x30: {  	[sflag:s28] =	ssyncset.done $0x0  }
0x31: {  	[sflag:s28] =	ssyncadd.s32 $0xFFFFF600  }
0x32: {  	_ =	swait.ge [sflag:s29], $0xA00  }
0x33: {  	[sflag:s29] =	ssyncset.done $0x0  }
0x34: {  	[sflag:s29] =	ssyncadd.s32 $0xFFFFF600  }
0x35: {  	[hbm4b:s12+s25] =	stream.strided.scatter [tilespmem:s20], [sflag:$0x7], $0xA00, s26, s25, $0x38;
	[tilespmem:$0x4F10] =	vst v63  }
0x36: {  	_ = 	snop  }
0x37: {  	[hbm4b:s13+s25] =	stream.strided.scatter [tilespmem:s22], [sflag:$0x8], $0xA00, s26, s25, $0x38;
	[tilespmem:$0x4F10] =	vst v63  }
0x38: {  	_ =	swait.ge [sflag:s30], $0xA00  }
0x39: {  	[sflag:s30] =	ssyncset.done $0x0  }
0x3a: {  	[sflag:s30] =	ssyncadd.s32 $0xFFFFF600  }
0x3b: {  	_ =	swait.ge [sflag:s31], $0xA00  }
0x3c: {  	[sflag:s31] =	ssyncset.done $0x0  }
0x3d: {  	[sflag:s31] =	ssyncadd.s32 $0xFFFFF600  }
0x3e: {  	_ =	swait.ge [sflag:s1], $0xA00  }
0x3f: {  	[sflag:s1] =	ssyncset.done $0x0  }
0x40: {  	[sflag:s1] =	ssyncadd.s32 $0xFFFFF600  }
0x41: {  	_ =	swait.ge [sflag:s0], $0xA00  }
0x42: {  	[sflag:s0] =	ssyncset.done $0x0  }
0x43: {  	s8 =	simm.s32 $0x50;
	[sflag:s0] =	ssyncadd.s32 $0xFFFFF600  }
0x44: {  	[tilespmem:s18], [sflag:$0x1] =	stream.indirect.gather [hbm4b:s3+s17], $0x40, s8, s17, $0xb8;
	[tilespmem:$0x4F10] =	vst v63  }
0x45: {  	s9 =	simm.s32 $0x13D8  }
0x46: {  	[tilespmem:s19], [sflag:$0x2] =	stream.indirect.gather [hbm4b:s4+s17], $0x40, s9, s17, $0xb8;
	[tilespmem:$0x4F10] =	vst v63  }
0x47: {  	s14 =	simm.s32 $0x78  }
0x48: {  	[tilespmem:s20], [sflag:$0x3] =	stream.indirect.gather [hbm4b:s3+s17], $0x40, s14, s17, $0xb8;
	[tilespmem:$0x4F10] =	vst v63  }
0x49: {  	s6 =	simm.s32 $0x1400  }
0x4a: {  	[tilespmem:s22], [sflag:$0x4] =	stream.indirect.gather [hbm4b:s4+s17], $0x40, s6, s17, $0xb8;
	[tilespmem:$0x4F10] =	vst v63  }
0x4b: {  	_ =	swait.ge [sflag:s23], $0xA00  }
0x4c: {  	[sflag:s23] =	ssyncset.done $0x0  }
0x4d: {  	[sflag:s23] =	ssyncadd.s32 $0xFFFFF600  }
0x4e: {  	_ =	swait.ge [sflag:s24], $0xA00  }
0x4f: {  	[sflag:s24] =	ssyncset.done $0x0  }
0x50: {  	s8 =	sadd.s32 $0xFFFFFD78, s7;
	[sflag:s24] =	ssyncadd.s32 $0xFFFFF600  }
0x51: {  	[hbm4b:s8+s25] =	stream.strided.scatter [tilespmem:s18], [sflag:$0x5], $0xA00, s26, s25, $0x38;
	[tilespmem:$0x4F10] =	vst v63  }
0x52: {  	s9 =	sadd.s32 $0xFFFFFD80, s7  }
0x53: {  	[hbm4b:s9+s25] =	stream.strided.scatter [tilespmem:s19], [sflag:$0x6], $0xA00, s26, s25, $0x38;
	[tilespmem:$0x4F10] =	vst v63  }
0x54: {  	_ =	swait.ge [sflag:s28], $0xA00  }
0x55: {  	[sflag:s28] =	ssyncset.done $0x0  }
0x56: {  	[sflag:s28] =	ssyncadd.s32 $0xFFFFF600  }
0x57: {  	_ =	swait.ge [sflag:s29], $0xA00  }
0x58: {  	[sflag:s29] =	ssyncset.done $0x0  }
0x59: {  	s14 =	sadd.s32 $0xFFFFFFF8, s7;
	[sflag:s29] =	ssyncadd.s32 $0xFFFFF600  }
0x5a: {  	[hbm4b:s14+s25] =	stream.strided.scatter [tilespmem:s20], [sflag:$0x7], $0xA00, s26, s25, $0x38;
	[tilespmem:$0x4F10] =	vst v63  }
0x5b: {  	s5 =	simm.s32 $0x140;
	s6 =	sadd.s32 $0x500, s7;
	s14 =	smov.u32 s7  }
.LBB2_2:
0x5c: {  	[hbm4b:s14+s25] =	stream.strided.scatter [tilespmem:s22], [sflag:$0x8], $0xA00, s26, s25, $0x38;
	[tilespmem:$0x4F10] =	vst v63  }
0x5d: {  	s8 =	smov.u32 s5;
	s14 =	smov.u32 s6  }
0x5e: {  	p0 =	sne.s32 s5, $0x4B00;
	s5 =	sadd.s32 $0x140, s5;
	_ =	swait.ge [sflag:s30], $0xA00  }
0x5f: {  	[sflag:s30] =	ssyncset.done $0x0  }
0x60: {  	[sflag:s30] =	ssyncadd.s32 $0xFFFFF600  }
0x61: {  	_ =	swait.ge [sflag:s31], $0xA00  }
0x62: {  	[sflag:s31] =	ssyncset.done $0x0  }
0x63: {  	[sflag:s31] =	ssyncadd.s32 $0xFFFFF600  }
0x64: {  	_ =	swait.ge [sflag:s1], $0xA00  }
0x65: {  	[sflag:s1] =	ssyncset.done $0x0  }
0x66: {  	[sflag:s1] =	ssyncadd.s32 $0xFFFFF600  }
0x67: {  	_ =	swait.ge [sflag:s0], $0xA00  }
0x68: {  	s8 =	sshra.s32 s8, $0x2;
	[sflag:s0] =	ssyncset.done $0x0  }
0x69: {  	s9 =	sadd.s32 $0x50, s8;
	[sflag:s0] =	ssyncadd.s32 $0xFFFFF600  }
0x6a: {  	[tilespmem:s18], [sflag:$0x1] =	stream.indirect.gather [hbm4b:s3+s17], $0x40, s9, s17, $0xb8;
	[tilespmem:$0x4F10] =	vst v63  }
0x6b: {  	s9 =	sadd.s32 $0x13D8, s8  }
0x6c: {  	[tilespmem:s19], [sflag:$0x2] =	stream.indirect.gather [hbm4b:s4+s17], $0x40, s9, s17, $0xb8;
	[tilespmem:$0x4F10] =	vst v63  }
0x6d: {  	s9 =	sadd.s32 $0x78, s8  }
0x6e: {  	[tilespmem:s20], [sflag:$0x3] =	stream.indirect.gather [hbm4b:s3+s17], $0x40, s9, s17, $0xb8;
	[tilespmem:$0x4F10] =	vst v63  }
0x6f: {  	s8 =	sadd.s32 $0x1400, s8  }
0x70: {  	[tilespmem:s22], [sflag:$0x4] =	stream.indirect.gather [hbm4b:s4+s17], $0x40, s8, s17, $0xb8;
	[tilespmem:$0x4F10] =	vst v63  }
0x71: {  	_ =	swait.ge [sflag:s23], $0xA00  }
0x72: {  	[sflag:s23] =	ssyncset.done $0x0  }
0x73: {  	[sflag:s23] =	ssyncadd.s32 $0xFFFFF600  }
0x74: {  	_ =	swait.ge [sflag:s24], $0xA00  }
0x75: {  	[sflag:s24] =	ssyncset.done $0x0  }
0x76: {  	s8 =	sadd.s32 $0xFFFFFD78, s6;
	[sflag:s24] =	ssyncadd.s32 $0xFFFFF600  }
0x77: {  	[hbm4b:s8+s25] =	stream.strided.scatter [tilespmem:s18], [sflag:$0x5], $0xA00, s26, s25, $0x38;
	[tilespmem:$0x4F10] =	vst v63  }
0x78: {  	s8 =	sadd.s32 $0xFFFFFD80, s6  }
0x79: {  	[hbm4b:s8+s25] =	stream.strided.scatter [tilespmem:s19], [sflag:$0x6], $0xA00, s26, s25, $0x38;
	[tilespmem:$0x4F10] =	vst v63  }
0x7a: {  	_ =	swait.ge [sflag:s28], $0xA00  }
0x7b: {  	[sflag:s28] =	ssyncset.done $0x0  }
0x7c: {  	[sflag:s28] =	ssyncadd.s32 $0xFFFFF600  }
.Ltmp0:
0x7d: {  	_ =	swait.ge [sflag:s29], $0xA00;
	(pc) =	sbr.rel @p0 .LBB2_2-.Ltmp0, $4  }
0x7e: {  	[sflag:s29] =	ssyncset.done $0x0  }
0x7f: {  	s8 =	sadd.s32 $0xFFFFFFF8, s6;
	[sflag:s29] =	ssyncadd.s32 $0xFFFFF600  }
0x80: {  	[hbm4b:s8+s25] =	stream.strided.scatter [tilespmem:s20], [sflag:$0x7], $0xA00, s26, s25, $0x38;
	[tilespmem:$0x4F10] =	vst v63  }
0x81: {  	s6 =	sadd.s32 $0x500, s6  }
0x82: {  	[hbm4b:s14+s25] =	stream.strided.scatter [tilespmem:s22], [sflag:$0x8], $0xA00, s26, s25, $0x38;
	[tilespmem:$0x4F10] =	vst v63  }
0x83: {  	_ =	swait.ge [sflag:s30], $0xA00  }
0x84: {  	[sflag:s30] =	ssyncset.done $0x0  }
0x85: {  	[sflag:s30] =	ssyncadd.s32 $0xFFFFF600  }
0x86: {  	_ =	swait.ge [sflag:s31], $0xA00  }
0x87: {  	[sflag:s31] =	ssyncset.done $0x0  }
0x88: {  	s5 =	simm.s32 $0x1360;
	[sflag:s31] =	ssyncadd.s32 $0xFFFFF600  }
0x89: {  	[tilespmem:s18], [sflag:$0x1] =	stream.indirect.gather [hbm4b:s3+s17], $0x40, s5, s17, $0xb8;
	[tilespmem:$0x4F10] =	vst v63  }
0x8a: {  	s6 =	simm.s32 $0x26E8  }
0x8b: {  	[tilespmem:s19], [sflag:$0x2] =	stream.indirect.gather [hbm4b:s4+s17], $0x40, s6, s17, $0xb8;
	[tilespmem:$0x4F10] =	vst v63  }
0x8c: {  	_ =	swait.ge [sflag:s23], $0xA00  }
0x8d: {  	[sflag:s23] =	ssyncset.done $0x0  }
0x8e: {  	[sflag:s23] =	ssyncadd.s32 $0xFFFFF600  }
0x8f: {  	_ =	swait.ge [sflag:s24], $0xA00  }
0x90: {  	[sflag:s24] =	ssyncset.done $0x0  }
0x91: {  	s8 =	rddreg [dreg:$0x4];
	[sflag:s24] =	ssyncadd.s32 $0xFFFFF600  }
0x92: {  	[hbm4b:s8+s25] =	stream.strided.scatter [tilespmem:s18], [sflag:$0x5], $0xA00, s26, s25, $0x38;
	[tilespmem:$0x4F10] =	vst v63  }
0x93: {  	s9 =	rddreg [dreg:$0x5]  }
0x94: {  	[hbm4b:s9+s25] =	stream.strided.scatter [tilespmem:s19], [sflag:$0x6], $0xA00, s26, s25, $0x38;
	[tilespmem:$0x4F10] =	vst v63  }
0x95: {  	_ =	swait.ge [sflag:s1], $0xA00  }
0x96: {  	[sflag:s1] =	ssyncset.done $0x0  }
0x97: {  	[sflag:s1] =	ssyncadd.s32 $0xFFFFF600  }
0x98: {  	_ =	swait.ge [sflag:s0], $0xA00  }
0x99: {  	[sflag:s0] =	ssyncset.done $0x0  }
0x9a: {  	[sflag:s0] =	ssyncadd.s32 $0xFFFFF600  }
0x9b: {  	_ =	swait.ge [sflag:s30], $0xA00  }
0x9c: {  	[sflag:s30] =	ssyncset.done $0x0  }
0x9d: {  	[sflag:s30] =	ssyncadd.s32 $0xFFFFF600  }
0x9e: {  	_ =	swait.ge [sflag:s31], $0xA00  }
0x9f: {  	s21 =	sadd.s32 $0x1, s21;
	s14 =	rddreg [dreg:$0x6]  }
0xa0: {  	p0 =	sne.s32 s21, s14  }
.Ltmp1:
0xa1: {  	_ = 	snop;
	(pc) =	sbr.rel @p0 .LBB2_1-.Ltmp1, $3  }
0xa2: {  	_ =	sdelay $0x1  }
0xa3: {  	[sflag:s31] =	ssyncset.done $0x0  }
0xa4: {  	[sflag:s31] =	ssyncadd.s32 $0xFFFFF600  }
0xa5: {  	_ =	sfence.sel $0x180000  }
0xa6: {  	[bflag:$0x0] =	sbarrier.arrive $0xFFFF  }
0xa7: {  	_ =	strace $0x90000047  }
0xa8: {  	s0 =	stileid.u32;
	[bflag:$0x2] =	sbarrier.arrive $0xFFFF  }
0xa9: {  	p0 =	sne.s32 s0, $0x0;
	s0 =	rddreg [dreg:$0x1]  }
0xaa: {  	s0 =	sadd.s32 @!p0 $0x100000, s0  }
0xab: {  	[sflag:s0] =	ssyncadd.tile.s32 @!p0 $0x1;
	_ =	shalt  }
.Lfunc_end2:
_tile_overlayer_lowered:
.L_overlay_start_2:
0xac: {  	(tag) =	ssettag $0x2  }
0xad: {  	s0 =	rddreg [dreg:$0x0];
	s2 =	stileid.u32  }
0xae: {  	s1 =	rddreg [dreg:$0x1];
	p0 =	sne.s32 s2, $0x0  }
0xaf: {  	s3 =	rddreg [dreg:$0x2];
	[bflag:$0x3] =	sbarrier.arrive $0xFFFF;
	s2 =	simm.s32 @!p0 $0x1C09  }
0xb0: {  	[timem:s3], [sflag:s2] =	dma.local @!p0 [hbm:s0], s1  }
0xb1: {  	s0 =	simm.s32 @!p0 $0x9  }
0xb2: {  	_ =	swait.ge @!p0 [sflag:s0], s1  }
0xb3: {  	s1 =	ssub.s32 @!p0 $0x0, s1;
	[sflag:s0] =	ssyncset.done @!p0 $0x0  }
0xb4: {  	[sflag:s0] =	ssyncadd.s32 @!p0 s1  }
0xb5: {  	[bflag:$0x3] =	sbarrier.arrive $0xFFFF  }
0xb6: {  	_ =	shalt  }

</sc_bundles>
